<compile_context>
chip_gen: v7x
topology: tpu7x:2x2x1
jax: 0.10.2.dev20260603
libtpu: 0.0.44.dev20260713+nightly
codegen_flags: <defaults>
</compile_context>

<pallas_src>
import jax
import jax.numpy as jnp
from jax import lax
from jax.experimental import pallas as pl
from jax.experimental.pallas import tpu as pltpu
from jax.experimental.pallas import tpu_sc as plsc

E = 6_400_000
N = 100_000
W = 3 * N
NC = 2
NS = 16
L = 16
NW = NC * NS
CHUNK = 2000
GROUPS = CHUNK // L
NCH = E // CHUNK // NW
WPS = 18752
WPS_LAST = W - (NS - 1) * WPS


def _sc_body(dx_hbm, dy_hbm, dz_hbm, ii_hbm, jj_hbm, zeros_hbm, out_hbm,
             *scr):
    ins = (scr[0:5], scr[5:10], scr[10:15])
    vals = (scr[15:17], scr[17:19], scr[19:21])
    idxs = (scr[21:23], scr[23:25], scr[25:27])
    acc_s = scr[27]
    sem_in = (scr[28], scr[29], scr[30])
    sem_st = (scr[31], scr[32], scr[33])

    cid = lax.axis_index("c")
    sid = lax.axis_index("s")
    wid = cid * NS + sid

    r0 = sid * WPS

    @pl.when(sid < NS - 1)
    def _():
        pltpu.sync_copy(zeros_hbm.at[pl.ds(r0, WPS)], acc_s.at[pl.ds(r0, WPS)])

    @pl.when(sid == NS - 1)
    def _():
        pltpu.sync_copy(zeros_hbm.at[pl.ds((NS - 1) * WPS, WPS_LAST)],
                        acc_s.at[pl.ds((NS - 1) * WPS, WPS_LAST)])

    plsc.subcore_barrier()

    start = wid * NCH
    magic = jnp.full((L,), 0x5F3759DF, jnp.int32)
    srcs = (dx_hbm, dy_hbm, dz_hbm, ii_hbm, jj_hbm)

    def fire_inputs(ci, k):
        e0 = (start + ci) * CHUNK
        for src, dst in zip(srcs, ins[k]):
            pltpu.async_copy(src.at[pl.ds(e0, CHUNK)], dst, sem_in[k])

    def wait_inputs(k):
        for src, dst in zip(srcs, ins[k]):
            pltpu.make_async_copy(src.at[pl.ds(0, CHUNK)], dst, sem_in[k]).wait()

    def fire_streams(k):
        pbuf, nbuf = vals[k]
        wibuf, wjbuf = idxs[k]
        pltpu.async_copy(pbuf, acc_s.at[wibuf], sem_st[k], add=True)
        pltpu.async_copy(nbuf, acc_s.at[wjbuf], sem_st[k], add=True)

    def wait_streams(k):
        pbuf, nbuf = vals[k]
        wibuf, wjbuf = idxs[k]
        pltpu.make_async_copy(pbuf, acc_s.at[wibuf], sem_st[k]).wait()
        pltpu.make_async_copy(nbuf, acc_s.at[wjbuf], sem_st[k]).wait()

    def compute(k):
        vx, vy, vz, vii, vjj = ins[k]
        pbuf, nbuf = vals[k]
        wibuf, wjbuf = idxs[k]

        def do_group(g, c_):
            o = g * L
            sl = pl.ds(o, L)
            sx = pl.ds(o, L)
            sy = pl.ds(o + CHUNK, L)
            sz = pl.ds(o + 2 * CHUNK, L)
            ax = vx[sl]
            ay = vy[sl]
            az = vz[sl]
            r2 = ax * ax + ay * ay + az * az + 1e-12
            bi = plsc.bitcast(r2, jnp.int32)
            y = plsc.bitcast(magic - lax.shift_right_logical(bi, 1), jnp.float32)
            xh = r2 * 0.5
            y = y * (1.5 - xh * y * y)
            y = y * (1.5 - xh * y * y)
            y = y * (1.5 - xh * y * y)
            s = 1.0 - y
            t = y - 1.0
            pbuf[sx] = s * ax
            pbuf[sy] = s * ay
            pbuf[sz] = s * az
            nbuf[sx] = t * ax
            nbuf[sy] = t * ay
            nbuf[sz] = t * az
            wa = vii[sl] * 3
            wb = vjj[sl] * 3
            wibuf[sx] = wa
            wibuf[sy] = wa + 1
            wibuf[sz] = wa + 2
            wjbuf[sx] = wb
            wjbuf[sy] = wb + 1
            wjbuf[sz] = wb + 2
            return c_

        lax.fori_loop(0, GROUPS, do_group, 0, unroll=False)

    fire_inputs(0, 0)

    def do_chunk(ci, carry):
        def phase(k):
            wait_inputs(k)

            @pl.when(ci < NCH - 1)
            def _():
                fire_inputs(ci + 1, (k + 1) % 3)

            @pl.when(ci >= 3)
            def _():
                wait_streams(k)

            compute(k)
            fire_streams(k)

        @pl.when(ci % 3 == 0)
        def _():
            phase(0)

        @pl.when(ci % 3 == 1)
        def _():
            phase(1)

        @pl.when(ci % 3 == 2)
        def _():
            phase(2)

        return carry

    lax.fori_loop(0, NCH, do_chunk, 0, unroll=False)
    wait_streams(0)
    wait_streams(1)
    wait_streams(2)

    plsc.subcore_barrier()

    @pl.when(sid < NS - 1)
    def _():
        pltpu.sync_copy(acc_s.at[pl.ds(r0, WPS)],
                        out_hbm.at[cid, pl.ds(r0, WPS)])

    @pl.when(sid == NS - 1)
    def _():
        pltpu.sync_copy(acc_s.at[pl.ds((NS - 1) * WPS, WPS_LAST)],
                        out_hbm.at[cid, pl.ds((NS - 1) * WPS, WPS_LAST)])


def _combine_body(a_ref, b_ref, o_ref):
    o_ref[...] = a_ref[...] + b_ref[...]


def kernel(edge_diff, edge_idx, n_atoms):
    del n_atoms
    dx = edge_diff[:, 0]
    dy = edge_diff[:, 1]
    dz = edge_diff[:, 2]
    ii = edge_idx[:, 0]
    jj = edge_idx[:, 1]
    zeros = jnp.zeros((W,), jnp.float32)
    mesh = plsc.VectorSubcoreMesh(core_axis_name="c", subcore_axis_name="s")
    fvec = pltpu.VMEM((CHUNK,), jnp.float32)
    ivec = pltpu.VMEM((CHUNK,), jnp.int32)
    f3vec = pltpu.VMEM((3 * CHUNK,), jnp.float32)
    i3vec = pltpu.VMEM((3 * CHUNK,), jnp.int32)
    in_set = [fvec, fvec, fvec, ivec, ivec]
    partials = pl.kernel(
        _sc_body,
        out_type=jax.ShapeDtypeStruct((NC, W), jnp.float32),
        compiler_params=pltpu.CompilerParams(
            needs_layout_passes=False, use_tc_tiling_on_sc=False),
        mesh=mesh,
        scratch_types=(
            in_set + in_set + in_set
            + [f3vec, f3vec] * 3
            + [i3vec, i3vec] * 3
            + [pltpu.VMEM_SHARED((W,), jnp.float32)]
            + [pltpu.SemaphoreType.DMA] * 6
        ),
    )(dx, dy, dz, ii, jj, zeros)

    pa = partials[0].reshape(300, 1000)
    pb = partials[1].reshape(300, 1000)
    out = pl.pallas_call(
        _combine_body,
        out_shape=jax.ShapeDtypeStruct((300, 1000), jnp.float32),
    )(pa, pb)
    return out.reshape(N, 3)

# --- scband reference (transcript-rebuilt; emitter-appended) ---
"""Pipeline reference for scband-gradient-output-76012331204783 (READ-ONLY COPY).

The authoritative reference and input builder live on the scoring server;
editing this copy changes nothing except your own understanding.
"""

import jax, jax.numpy as jnp
import numpy as np

N_ATOMS = 100000
N_EDGES = 6400000


def _energy_fn(edge_diff):
    # Stand-in for the upstream model that produced `energy` as a
    # differentiable function of edge_diff: harmonic pair potential
    # E = sum_e 0.5 * (|r_e| - r0)^2 with r0 = 1.0
    r2 = jnp.sum(edge_diff * edge_diff, axis=-1)
    r = jnp.sqrt(r2 + 1e-12)
    return jnp.sum(0.5 * (r - 1.0) ** 2)


def setup_inputs(seed: int = 0) -> dict:
    key = jax.random.key(seed)
    k1, k2 = jax.random.split(key)
    edge_diff = jax.random.normal(k1, (N_EDGES, 3), dtype=jnp.float32)
    edge_idx = jax.random.randint(k2, (N_EDGES, 2), 0, N_ATOMS)
    n_atoms = N_ATOMS  # scalar: total atom count (sum of per-image n_atoms)
    return {"edge_diff": edge_diff, "edge_idx": edge_idx, "n_atoms": n_atoms}


def reference(edge_diff, edge_idx, n_atoms):
    forces_dim = N_ATOMS
    zero_from_n_atoms = n_atoms * 0
    # dE/d(edge_diff) -- mirrors torch.autograd.grad([energy],[edge_diff])
    dE_ddiff = jax.grad(_energy_fn)(edge_diff)
    # i_forces.index_add_(0, edge_idx[:,0], dE_ddiff)
    i_forces = jnp.zeros((forces_dim, 3), dtype=edge_diff.dtype).at[edge_idx[:, 0] + zero_from_n_atoms].add(dE_ddiff)
    # j_forces.index_add_(0, edge_idx[:,1], -dE_ddiff)
    j_forces = jnp.zeros((forces_dim, 3), dtype=edge_diff.dtype).at[edge_idx[:, 1] + zero_from_n_atoms].add(-dE_ddiff)
    forces = i_forces + j_forces
    return forces

if __name__ == "__main__":
    import jax
    _d = setup_inputs()
    print(jax.jit(kernel)(*tuple(_d.values())))

</pallas_src>

<mosaic_0001>
#map = affine_map<(d0, d1) -> (0)>
#map1 = affine_map<(d0, d1) -> (0, 0)>
module attributes {stable_mosaic.version = 14 : i64} {
  func.func @_sc_body(%arg0: i32, %arg1: i32, %arg2: memref<6400000xf32, #tpu.memory_space<hbm>>, %arg3: memref<6400000xf32, #tpu.memory_space<hbm>>, %arg4: memref<6400000xf32, #tpu.memory_space<hbm>>, %arg5: memref<6400000xi32, #tpu.memory_space<hbm>>, %arg6: memref<6400000xi32, #tpu.memory_space<hbm>>, %arg7: memref<300000xf32, #tpu.memory_space<hbm>>, %arg8: memref<2x300000xf32, #tpu.memory_space<hbm>>, %arg9: memref<2000xf32, #tpu.memory_space<vmem>>, %arg10: memref<2000xf32, #tpu.memory_space<vmem>>, %arg11: memref<2000xf32, #tpu.memory_space<vmem>>, %arg12: memref<2000xi32, #tpu.memory_space<vmem>>, %arg13: memref<2000xi32, #tpu.memory_space<vmem>>, %arg14: memref<2000xf32, #tpu.memory_space<vmem>>, %arg15: memref<2000xf32, #tpu.memory_space<vmem>>, %arg16: memref<2000xf32, #tpu.memory_space<vmem>>, %arg17: memref<2000xi32, #tpu.memory_space<vmem>>, %arg18: memref<2000xi32, #tpu.memory_space<vmem>>, %arg19: memref<2000xf32, #tpu.memory_space<vmem>>, %arg20: memref<2000xf32, #tpu.memory_space<vmem>>, %arg21: memref<2000xf32, #tpu.memory_space<vmem>>, %arg22: memref<2000xi32, #tpu.memory_space<vmem>>, %arg23: memref<2000xi32, #tpu.memory_space<vmem>>, %arg24: memref<6000xf32, #tpu.memory_space<vmem>>, %arg25: memref<6000xf32, #tpu.memory_space<vmem>>, %arg26: memref<6000xf32, #tpu.memory_space<vmem>>, %arg27: memref<6000xf32, #tpu.memory_space<vmem>>, %arg28: memref<6000xf32, #tpu.memory_space<vmem>>, %arg29: memref<6000xf32, #tpu.memory_space<vmem>>, %arg30: memref<6000xi32, #tpu.memory_space<vmem>>, %arg31: memref<6000xi32, #tpu.memory_space<vmem>>, %arg32: memref<6000xi32, #tpu.memory_space<vmem>>, %arg33: memref<6000xi32, #tpu.memory_space<vmem>>, %arg34: memref<6000xi32, #tpu.memory_space<vmem>>, %arg35: memref<6000xi32, #tpu.memory_space<vmem>>, %arg36: memref<300000xf32, #tpu.memory_space<vmem_shared>>, %arg37: memref<!tpu.dma_semaphore, #tpu.memory_space<semaphore_mem>>, %arg38: memref<!tpu.dma_semaphore, #tpu.memory_space<semaphore_mem>>, %arg39: memref<!tpu.dma_semaphore, #tpu.memory_space<semaphore_mem>>, %arg40: memref<!tpu.dma_semaphore, #tpu.memory_space<semaphore_mem>>, %arg41: memref<!tpu.dma_semaphore, #tpu.memory_space<semaphore_mem>>, %arg42: memref<!tpu.dma_semaphore, #tpu.memory_space<semaphore_mem>>) attributes {dimension_semantics = [#tpu.dimension_semantics<core_parallel>, #tpu.dimension_semantics<subcore_parallel>], iteration_bounds = array<i64: 2, 16>, scalar_prefetch = 0 : i64, scratch_operands = 34 : i64, tpu.core_type = #tpu.core_type<sc_vector_subcore>, window_params = [{transform_indices = #map}, {transform_indices = #map}, {transform_indices = #map}, {transform_indices = #map}, {transform_indices = #map}, {transform_indices = #map}, {transform_indices = #map1}]} {
    %mul3A = arith.constant 16 : i32
    %mul3A_0 = arith.muli %arg0, %mul3A : i32
    %add3A = arith.addi %mul3A_0, %arg1 : i32
    %mul3A_1 = arith.constant 18752 : i32
    %mul3A_2 = arith.muli %arg1, %mul3A_1 : i32
    %lt3A = arith.constant 15 : i32
    %lt3A_3 = arith.cmpi slt, %arg1, %lt3A : i32
    %convert_element_type3A = arith.extui %lt3A_3 : i1 to i32
    %cond3A = arith.constant 0 : i32
    %cond3A_4 = arith.cmpi ne, %convert_element_type3A, %cond3A : i32
    scf.if %cond3A_4 {
      "tpu.region"() ({
        %run_scoped3A = tpu.sem_alloc : memref<!tpu.dma_semaphore, #tpu.memory_space<semaphore_mem>>
        %dma_start3A_52 = tpu.memref_slice %arg36[%mul3A_2] : memref<300000xf32, #tpu.memory_space<vmem_shared>> -> memref<18752xf32, #tpu.memory_space<vmem_shared>>
        %dma_start3A_53 = tpu.memref_slice %arg7[%mul3A_2] : memref<300000xf32, #tpu.memory_space<hbm>> -> memref<18752xf32, #tpu.memory_space<hbm>>
        tpu.enqueue_dma source(%dma_start3A_53 : memref<18752xf32, #tpu.memory_space<hbm>>) target(%dma_start3A_52 : memref<18752xf32, #tpu.memory_space<vmem_shared>>) target_semaphore(%run_scoped3A : memref<!tpu.dma_semaphore, #tpu.memory_space<semaphore_mem>>)
        %dma_wait3A_54 = tpu.memref_slice %arg36[%mul3A_2] : memref<300000xf32, #tpu.memory_space<vmem_shared>> -> memref<18752xf32, #tpu.memory_space<vmem_shared>>
        %dma_wait3A_55 = tpu.memref_slice %arg7[%mul3A_2] : memref<300000xf32, #tpu.memory_space<hbm>> -> memref<18752xf32, #tpu.memory_space<hbm>>
        tpu.wait_dma2 semaphore(%run_scoped3A : memref<!tpu.dma_semaphore, #tpu.memory_space<semaphore_mem>>) src(%dma_wait3A_55 : memref<18752xf32, #tpu.memory_space<hbm>>) dst(%dma_wait3A_54 : memref<18752xf32, #tpu.memory_space<vmem_shared>>)
        tpu.yield
      }) : () -> ()
    } else {
    }
    %eq3A = arith.constant 15 : i32
    %eq3A_5 = arith.cmpi eq, %arg1, %eq3A : i32
    %convert_element_type3A_6 = arith.extui %eq3A_5 : i1 to i32
    %cond3A_7 = arith.constant 0 : i32
    %cond3A_8 = arith.cmpi ne, %convert_element_type3A_6, %cond3A_7 : i32
    scf.if %cond3A_8 {
      "tpu.region"() ({
        %run_scoped3A = tpu.sem_alloc : memref<!tpu.dma_semaphore, #tpu.memory_space<semaphore_mem>>
        %dma_start3A_52 = arith.constant 281280 : i32
        %dma_start3A_53 = tpu.memref_slice %arg36[%dma_start3A_52] : memref<300000xf32, #tpu.memory_space<vmem_shared>> -> memref<18720xf32, #tpu.memory_space<vmem_shared>>
        %dma_start3A_54 = arith.constant 281280 : i32
        %dma_start3A_55 = tpu.memref_slice %arg7[%dma_start3A_54] : memref<300000xf32, #tpu.memory_space<hbm>> -> memref<18720xf32, #tpu.memory_space<hbm>>
        tpu.enqueue_dma source(%dma_start3A_55 : memref<18720xf32, #tpu.memory_space<hbm>>) target(%dma_start3A_53 : memref<18720xf32, #tpu.memory_space<vmem_shared>>) target_semaphore(%run_scoped3A : memref<!tpu.dma_semaphore, #tpu.memory_space<semaphore_mem>>)
        %dma_wait3A_56 = arith.constant 281280 : i32
        %dma_wait3A_57 = tpu.memref_slice %arg36[%dma_wait3A_56] : memref<300000xf32, #tpu.memory_space<vmem_shared>> -> memref<18720xf32, #tpu.memory_space<vmem_shared>>
        %dma_wait3A_58 = arith.constant 281280 : i32
        %dma_wait3A_59 = tpu.memref_slice %arg7[%dma_wait3A_58] : memref<300000xf32, #tpu.memory_space<hbm>> -> memref<18720xf32, #tpu.memory_space<hbm>>
        tpu.wait_dma2 semaphore(%run_scoped3A : memref<!tpu.dma_semaphore, #tpu.memory_space<semaphore_mem>>) src(%dma_wait3A_59 : memref<18720xf32, #tpu.memory_space<hbm>>) dst(%dma_wait3A_57 : memref<18720xf32, #tpu.memory_space<vmem_shared>>)
        tpu.yield
      }) : () -> ()
    } else {
    }
    %barrier3A = arith.constant 0 : index
    tpu.barrier barrier_id(%barrier3A)
    %mul3A_9 = arith.constant 100 : i32
    %mul3A_10 = arith.muli %add3A, %mul3A_9 : i32
    %broadcast_in_dim3A = arith.constant 1597463007 : i32
    %broadcast_in_dim3A_11 = vector.broadcast %broadcast_in_dim3A : i32 to vector<16xi32>
    %add3A_12 = arith.constant 0 : i32
    %add3A_13 = arith.addi %mul3A_10, %add3A_12 : i32
    %mul3A_14 = arith.constant 2000 : i32
    %mul3A_15 = arith.muli %add3A_13, %mul3A_14 : i32
    %dma_start3A = tpu.memref_slice %arg2[%mul3A_15] : memref<6400000xf32, #tpu.memory_space<hbm>> -> memref<2000xf32, #tpu.memory_space<hbm>>
    %dma_start3A_16 = tpu.memref_slice %arg2[%mul3A_15] : memref<6400000xf32, #tpu.memory_space<hbm>> -> memref<2000xf32, #tpu.memory_space<hbm>>
    tpu.enqueue_dma source(%dma_start3A_16 : memref<2000xf32, #tpu.memory_space<hbm>>) target(%arg9 : memref<2000xf32, #tpu.memory_space<vmem>>) target_semaphore(%arg37 : memref<!tpu.dma_semaphore, #tpu.memory_space<semaphore_mem>>)
    %dma_start3A_17 = tpu.memref_slice %arg3[%mul3A_15] : memref<6400000xf32, #tpu.memory_space<hbm>> -> memref<2000xf32, #tpu.memory_space<hbm>>
    %dma_start3A_18 = tpu.memref_slice %arg3[%mul3A_15] : memref<6400000xf32, #tpu.memory_space<hbm>> -> memref<2000xf32, #tpu.memory_space<hbm>>
    tpu.enqueue_dma source(%dma_start3A_18 : memref<2000xf32, #tpu.memory_space<hbm>>) target(%arg10 : memref<2000xf32, #tpu.memory_space<vmem>>) target_semaphore(%arg37 : memref<!tpu.dma_semaphore, #tpu.memory_space<semaphore_mem>>)
    %dma_start3A_19 = tpu.memref_slice %arg4[%mul3A_15] : memref<6400000xf32, #tpu.memory_space<hbm>> -> memref<2000xf32, #tpu.memory_space<hbm>>
    %dma_start3A_20 = tpu.memref_slice %arg4[%mul3A_15] : memref<6400000xf32, #tpu.memory_space<hbm>> -> memref<2000xf32, #tpu.memory_space<hbm>>
    tpu.enqueue_dma source(%dma_start3A_20 : memref<2000xf32, #tpu.memory_space<hbm>>) target(%arg11 : memref<2000xf32, #tpu.memory_space<vmem>>) target_semaphore(%arg37 : memref<!tpu.dma_semaphore, #tpu.memory_space<semaphore_mem>>)
    %dma_start3A_21 = tpu.memref_slice %arg5[%mul3A_15] : memref<6400000xi32, #tpu.memory_space<hbm>> -> memref<2000xi32, #tpu.memory_space<hbm>>
    %dma_start3A_22 = tpu.memref_slice %arg5[%mul3A_15] : memref<6400000xi32, #tpu.memory_space<hbm>> -> memref<2000xi32, #tpu.memory_space<hbm>>
    tpu.enqueue_dma source(%dma_start3A_22 : memref<2000xi32, #tpu.memory_space<hbm>>) target(%arg12 : memref<2000xi32, #tpu.memory_space<vmem>>) target_semaphore(%arg37 : memref<!tpu.dma_semaphore, #tpu.memory_space<semaphore_mem>>)
    %dma_start3A_23 = tpu.memref_slice %arg6[%mul3A_15] : memref<6400000xi32, #tpu.memory_space<hbm>> -> memref<2000xi32, #tpu.memory_space<hbm>>
    %dma_start3A_24 = tpu.memref_slice %arg6[%mul3A_15] : memref<6400000xi32, #tpu.memory_space<hbm>> -> memref<2000xi32, #tpu.memory_space<hbm>>
    tpu.enqueue_dma source(%dma_start3A_24 : memref<2000xi32, #tpu.memory_space<hbm>>) target(%arg13 : memref<2000xi32, #tpu.memory_space<vmem>>) target_semaphore(%arg37 : memref<!tpu.dma_semaphore, #tpu.memory_space<semaphore_mem>>)
    %scan3A = arith.constant 0 : i32
    %scan3A_25 = arith.constant 0 : i32
    %scan3A_26 = arith.constant 100 : i32
    %scan3A_27 = arith.addi %scan3A_25, %scan3A_26 : i32
    %scan3A_28 = arith.constant 1 : i32
    scf.for %scan3A_52 = %scan3A_25 to %scan3A_27 step %scan3A_28  : i32 {
      %jit3A = arith.constant 3 : i32
      %eq3A_53 = arith.constant 0 : i32
      %eq3A_54 = arith.cmpi eq, %jit3A, %eq3A_53 : i32
      %jit3A_55 = arith.constant 1 : i32
      %select_n3A = arith.select %eq3A_54, %jit3A_55, %jit3A : i32
      %rem3A = arith.remsi %scan3A_52, %select_n3A : i32
      %ne3A = arith.constant 0 : i32
      %ne3A_56 = arith.cmpi ne, %rem3A, %ne3A : i32
      %lt3A_57 = arith.constant 0 : i32
      %lt3A_58 = arith.cmpi slt, %rem3A, %lt3A_57 : i32
      %lt3A_59 = arith.constant 0 : i32
      %lt3A_60 = arith.cmpi slt, %select_n3A, %lt3A_59 : i32
      %ne3A_61 = arith.xori %lt3A_58, %lt3A_60 : i1
      %and3A = arith.andi %ne3A_61, %ne3A_56 : i1
      %add3A_62 = arith.addi %rem3A, %select_n3A : i32
      %select_n3A_63 = arith.select %and3A, %add3A_62, %rem3A : i32
      %eq3A_64 = arith.constant 0 : i32
      %eq3A_65 = arith.cmpi eq, %select_n3A_63, %eq3A_64 : i32
      %convert_element_type3A_66 = arith.extui %eq3A_65 : i1 to i32
      %cond3A_67 = arith.constant 0 : i32
      %cond3A_68 = arith.cmpi ne, %convert_element_type3A_66, %cond3A_67 : i32
      scf.if %cond3A_68 {
        %dma_wait3A_111 = arith.constant 0 : i32
        %dma_wait3A_112 = tpu.memref_slice %arg2[%dma_wait3A_111] : memref<6400000xf32, #tpu.memory_space<hbm>> -> memref<2000xf32, #tpu.memory_space<hbm>>
        %dma_wait3A_113 = arith.constant 0 : i32
        %dma_wait3A_114 = tpu.memref_slice %arg2[%dma_wait3A_113] : memref<6400000xf32, #tpu.memory_space<hbm>> -> memref<2000xf32, #tpu.memory_space<hbm>>
        tpu.wait_dma2 semaphore(%arg37 : memref<!tpu.dma_semaphore, #tpu.memory_space<semaphore_mem>>) src(%dma_wait3A_114 : memref<2000xf32, #tpu.memory_space<hbm>>) dst(%arg9 : memref<2000xf32, #tpu.memory_space<vmem>>)
        %dma_wait3A_115 = arith.constant 0 : i32
        %dma_wait3A_116 = tpu.memref_slice %arg3[%dma_wait3A_115] : memref<6400000xf32, #tpu.memory_space<hbm>> -> memref<2000xf32, #tpu.memory_space<hbm>>
        %dma_wait3A_117 = arith.constant 0 : i32
        %dma_wait3A_118 = tpu.memref_slice %arg3[%dma_wait3A_117] : memref<6400000xf32, #tpu.memory_space<hbm>> -> memref<2000xf32, #tpu.memory_space<hbm>>
        tpu.wait_dma2 semaphore(%arg37 : memref<!tpu.dma_semaphore, #tpu.memory_space<semaphore_mem>>) src(%dma_wait3A_118 : memref<2000xf32, #tpu.memory_space<hbm>>) dst(%arg10 : memref<2000xf32, #tpu.memory_space<vmem>>)
        %dma_wait3A_119 = arith.constant 0 : i32
        %dma_wait3A_120 = tpu.memref_slice %arg4[%dma_wait3A_119] : memref<6400000xf32, #tpu.memory_space<hbm>> -> memref<2000xf32, #tpu.memory_space<hbm>>
        %dma_wait3A_121 = arith.constant 0 : i32
        %dma_wait3A_122 = tpu.memref_slice %arg4[%dma_wait3A_121] : memref<6400000xf32, #tpu.memory_space<hbm>> -> memref<2000xf32, #tpu.memory_space<hbm>>
        tpu.wait_dma2 semaphore(%arg37 : memref<!tpu.dma_semaphore, #tpu.memory_space<semaphore_mem>>) src(%dma_wait3A_122 : memref<2000xf32, #tpu.memory_space<hbm>>) dst(%arg11 : memref<2000xf32, #tpu.memory_space<vmem>>)
        %dma_wait3A_123 = arith.constant 0 : i32
        %dma_wait3A_124 = tpu.memref_slice %arg5[%dma_wait3A_123] : memref<6400000xi32, #tpu.memory_space<hbm>> -> memref<2000xi32, #tpu.memory_space<hbm>>
        %dma_wait3A_125 = arith.constant 0 : i32
        %dma_wait3A_126 = tpu.memref_slice %arg5[%dma_wait3A_125] : memref<6400000xi32, #tpu.memory_space<hbm>> -> memref<2000xi32, #tpu.memory_space<hbm>>
        tpu.wait_dma2 semaphore(%arg37 : memref<!tpu.dma_semaphore, #tpu.memory_space<semaphore_mem>>) src(%dma_wait3A_126 : memref<2000xi32, #tpu.memory_space<hbm>>) dst(%arg12 : memref<2000xi32, #tpu.memory_space<vmem>>)
        %dma_wait3A_127 = arith.constant 0 : i32
        %dma_wait3A_128 = tpu.memref_slice %arg6[%dma_wait3A_127] : memref<6400000xi32, #tpu.memory_space<hbm>> -> memref<2000xi32, #tpu.memory_space<hbm>>
        %dma_wait3A_129 = arith.constant 0 : i32
        %dma_wait3A_130 = tpu.memref_slice %arg6[%dma_wait3A_129] : memref<6400000xi32, #tpu.memory_space<hbm>> -> memref<2000xi32, #tpu.memory_space<hbm>>
        tpu.wait_dma2 semaphore(%arg37 : memref<!tpu.dma_semaphore, #tpu.memory_space<semaphore_mem>>) src(%dma_wait3A_130 : memref<2000xi32, #tpu.memory_space<hbm>>) dst(%arg13 : memref<2000xi32, #tpu.memory_space<vmem>>)
        %lt3A_131 = arith.constant 99 : i32
        %lt3A_132 = arith.cmpi slt, %scan3A_52, %lt3A_131 : i32
        %convert_element_type3A_133 = arith.extui %lt3A_132 : i1 to i32
        %cond3A_134 = arith.constant 0 : i32
        %cond3A_135 = arith.cmpi ne, %convert_element_type3A_133, %cond3A_134 : i32
        scf.if %cond3A_135 {
          %add3A_150 = arith.constant 1 : i32
          %add3A_151 = arith.addi %scan3A_52, %add3A_150 : i32
          %add3A_152 = arith.addi %mul3A_10, %add3A_151 : i32
          %mul3A_153 = arith.constant 2000 : i32
          %mul3A_154 = arith.muli %add3A_152, %mul3A_153 : i32
          %dma_start3A_155 = tpu.memref_slice %arg2[%mul3A_154] : memref<6400000xf32, #tpu.memory_space<hbm>> -> memref<2000xf32, #tpu.memory_space<hbm>>
          %dma_start3A_156 = tpu.memref_slice %arg2[%mul3A_154] : memref<6400000xf32, #tpu.memory_space<hbm>> -> memref<2000xf32, #tpu.memory_space<hbm>>
          tpu.enqueue_dma source(%dma_start3A_156 : memref<2000xf32, #tpu.memory_space<hbm>>) target(%arg14 : memref<2000xf32, #tpu.memory_space<vmem>>) target_semaphore(%arg38 : memref<!tpu.dma_semaphore, #tpu.memory_space<semaphore_mem>>)
          %dma_start3A_157 = tpu.memref_slice %arg3[%mul3A_154] : memref<6400000xf32, #tpu.memory_space<hbm>> -> memref<2000xf32, #tpu.memory_space<hbm>>
          %dma_start3A_158 = tpu.memref_slice %arg3[%mul3A_154] : memref<6400000xf32, #tpu.memory_space<hbm>> -> memref<2000xf32, #tpu.memory_space<hbm>>
          tpu.enqueue_dma source(%dma_start3A_158 : memref<2000xf32, #tpu.memory_space<hbm>>) target(%arg15 : memref<2000xf32, #tpu.memory_space<vmem>>) target_semaphore(%arg38 : memref<!tpu.dma_semaphore, #tpu.memory_space<semaphore_mem>>)
          %dma_start3A_159 = tpu.memref_slice %arg4[%mul3A_154] : memref<6400000xf32, #tpu.memory_space<hbm>> -> memref<2000xf32, #tpu.memory_space<hbm>>
          %dma_start3A_160 = tpu.memref_slice %arg4[%mul3A_154] : memref<6400000xf32, #tpu.memory_space<hbm>> -> memref<2000xf32, #tpu.memory_space<hbm>>
          tpu.enqueue_dma source(%dma_start3A_160 : memref<2000xf32, #tpu.memory_space<hbm>>) target(%arg16 : memref<2000xf32, #tpu.memory_space<vmem>>) target_semaphore(%arg38 : memref<!tpu.dma_semaphore, #tpu.memory_space<semaphore_mem>>)
          %dma_start3A_161 = tpu.memref_slice %arg5[%mul3A_154] : memref<6400000xi32, #tpu.memory_space<hbm>> -> memref<2000xi32, #tpu.memory_space<hbm>>
          %dma_start3A_162 = tpu.memref_slice %arg5[%mul3A_154] : memref<6400000xi32, #tpu.memory_space<hbm>> -> memref<2000xi32, #tpu.memory_space<hbm>>
          tpu.enqueue_dma source(%dma_start3A_162 : memref<2000xi32, #tpu.memory_space<hbm>>) target(%arg17 : memref<2000xi32, #tpu.memory_space<vmem>>) target_semaphore(%arg38 : memref<!tpu.dma_semaphore, #tpu.memory_space<semaphore_mem>>)
          %dma_start3A_163 = tpu.memref_slice %arg6[%mul3A_154] : memref<6400000xi32, #tpu.memory_space<hbm>> -> memref<2000xi32, #tpu.memory_space<hbm>>
          %dma_start3A_164 = tpu.memref_slice %arg6[%mul3A_154] : memref<6400000xi32, #tpu.memory_space<hbm>> -> memref<2000xi32, #tpu.memory_space<hbm>>
          tpu.enqueue_dma source(%dma_start3A_164 : memref<2000xi32, #tpu.memory_space<hbm>>) target(%arg18 : memref<2000xi32, #tpu.memory_space<vmem>>) target_semaphore(%arg38 : memref<!tpu.dma_semaphore, #tpu.memory_space<semaphore_mem>>)
        } else {
        }
        %ge3A = arith.constant 3 : i32
        %ge3A_136 = arith.cmpi sge, %scan3A_52, %ge3A : i32
        %convert_element_type3A_137 = arith.extui %ge3A_136 : i1 to i32
        %cond3A_138 = arith.constant 0 : i32
        %cond3A_139 = arith.cmpi ne, %convert_element_type3A_137, %cond3A_138 : i32
        scf.if %cond3A_139 {
          %dma_wait3A_150 = arith.constant 0 : i32
          %dma_wait3A_151 = tpu.memref_slice %arg36[%dma_wait3A_150] : memref<300000xf32, #tpu.memory_space<vmem_shared>> -> memref<300000xf32, #tpu.memory_space<vmem_shared>>
          tpu.wait_indirect_dma semaphore(%arg40 : memref<!tpu.dma_semaphore, #tpu.memory_space<semaphore_mem>>) src(%arg24 : memref<6000xf32, #tpu.memory_space<vmem>>) dst(%dma_wait3A_151 : memref<300000xf32, #tpu.memory_space<vmem_shared>>)
          %dma_wait3A_152 = arith.constant 0 : i32
          %dma_wait3A_153 = tpu.memref_slice %arg36[%dma_wait3A_152] : memref<300000xf32, #tpu.memory_space<vmem_shared>> -> memref<300000xf32, #tpu.memory_space<vmem_shared>>
          tpu.wait_indirect_dma semaphore(%arg40 : memref<!tpu.dma_semaphore, #tpu.memory_space<semaphore_mem>>) src(%arg25 : memref<6000xf32, #tpu.memory_space<vmem>>) dst(%dma_wait3A_153 : memref<300000xf32, #tpu.memory_space<vmem_shared>>)
        } else {
        }
        %scan3A_140 = arith.constant 0 : i32
        %scan3A_141 = arith.constant 0 : i32
        %scan3A_142 = arith.constant 125 : i32
        %scan3A_143 = arith.addi %scan3A_141, %scan3A_142 : i32
        %scan3A_144 = arith.constant 1 : i32
        scf.for %scan3A_150 = %scan3A_141 to %scan3A_143 step %scan3A_144  : i32 {
          %mul3A_151 = arith.constant 16 : i32
          %mul3A_152 = arith.muli %scan3A_150, %mul3A_151 : i32
          %add3A_153 = arith.constant 2000 : i32
          %add3A_154 = arith.addi %mul3A_152, %add3A_153 : i32
          %add3A_155 = arith.constant 4000 : i32
          %add3A_156 = arith.addi %mul3A_152, %add3A_155 : i32
          %get3A = arith.index_cast %mul3A_152 : i32 to index
          %get3A_157 = tpu.vector_load %arg9[%get3A] {strides = array<i32>} : memref<2000xf32, #tpu.memory_space<vmem>>, vector<16xf32>,
          %get3A_158 = arith.index_cast %mul3A_152 : i32 to index
          %get3A_159 = tpu.vector_load %arg10[%get3A_158] {strides = array<i32>} : memref<2000xf32, #tpu.memory_space<vmem>>, vector<16xf32>,
          %get3A_160 = arith.index_cast %mul3A_152 : i32 to index
          %get3A_161 = tpu.vector_load %arg11[%get3A_160] {strides = array<i32>} : memref<2000xf32, #tpu.memory_space<vmem>>, vector<16xf32>,
          %mul3A_162 = arith.mulf %get3A_157, %get3A_157 : vector<16xf32>
          %mul3A_163 = arith.mulf %get3A_159, %get3A_159 : vector<16xf32>
          %add3A_164 = arith.addf %mul3A_162, %mul3A_163 : vector<16xf32>
          %mul3A_165 = arith.mulf %get3A_161, %get3A_161 : vector<16xf32>
          %add3A_166 = arith.addf %add3A_164, %mul3A_165 : vector<16xf32>
          %add3A_167 = arith.constant 9.99999996E-13 : f32
          %add3A_168 = vector.broadcast %add3A_167 : f32 to vector<16xf32>
          %add3A_169 = arith.addf %add3A_166, %add3A_168 : vector<16xf32>
          %bitcast3A = vector.bitcast %add3A_169 : vector<16xf32> to vector<16xi32>
          %shift_right_logical3A = arith.constant 1 : i32
          %shift_right_logical3A_170 = vector.broadcast %shift_right_logical3A : i32 to vector<16xi32>
          %shift_right_logical3A_171 = arith.shrui %bitcast3A, %shift_right_logical3A_170 : vector<16xi32>
          %sub3A = arith.subi %broadcast_in_dim3A_11, %shift_right_logical3A_171 : vector<16xi32>
          %bitcast3A_172 = vector.bitcast %sub3A : vector<16xi32> to vector<16xf32>
          %mul3A_173 = arith.constant 5.000000e-01 : f32
          %mul3A_174 = vector.broadcast %mul3A_173 : f32 to vector<16xf32>
          %mul3A_175 = arith.mulf %add3A_169, %mul3A_174 : vector<16xf32>
          %mul3A_176 = arith.mulf %mul3A_175, %bitcast3A_172 : vector<16xf32>
          %mul3A_177 = arith.mulf %mul3A_176, %bitcast3A_172 : vector<16xf32>
          %sub3A_178 = arith.constant 1.500000e+00 : f32
          %sub3A_179 = vector.broadcast %sub3A_178 : f32 to vector<16xf32>
          %sub3A_180 = arith.subf %sub3A_179, %mul3A_177 : vector<16xf32>
          %mul3A_181 = arith.mulf %bitcast3A_172, %sub3A_180 : vector<16xf32>
          %mul3A_182 = arith.mulf %mul3A_175, %mul3A_181 : vector<16xf32>
          %mul3A_183 = arith.mulf %mul3A_182, %mul3A_181 : vector<16xf32>
          %sub3A_184 = arith.constant 1.500000e+00 : f32
          %sub3A_185 = vector.broadcast %sub3A_184 : f32 to vector<16xf32>
          %sub3A_186 = arith.subf %sub3A_185, %mul3A_183 : vector<16xf32>
          %mul3A_187 = arith.mulf %mul3A_181, %sub3A_186 : vector<16xf32>
          %mul3A_188 = arith.mulf %mul3A_175, %mul3A_187 : vector<16xf32>
          %mul3A_189 = arith.mulf %mul3A_188, %mul3A_187 : vector<16xf32>
          %sub3A_190 = arith.constant 1.500000e+00 : f32
          %sub3A_191 = vector.broadcast %sub3A_190 : f32 to vector<16xf32>
          %sub3A_192 = arith.subf %sub3A_191, %mul3A_189 : vector<16xf32>
          %mul3A_193 = arith.mulf %mul3A_187, %sub3A_192 : vector<16xf32>
          %sub3A_194 = arith.constant 1.000000e+00 : f32
          %sub3A_195 = vector.broadcast %sub3A_194 : f32 to vector<16xf32>
          %sub3A_196 = arith.subf %sub3A_195, %mul3A_193 : vector<16xf32>
          %sub3A_197 = arith.constant 1.000000e+00 : f32
          %sub3A_198 = vector.broadcast %sub3A_197 : f32 to vector<16xf32>
          %sub3A_199 = arith.subf %mul3A_193, %sub3A_198 : vector<16xf32>
          %mul3A_200 = arith.mulf %sub3A_196, %get3A_157 : vector<16xf32>
          %swap3A = arith.index_cast %mul3A_152 : i32 to index
          %swap3A_201 = tpu.vector_load %arg24[%swap3A] {strides = array<i32>} : memref<6000xf32, #tpu.memory_space<vmem>>, vector<16xf32>,
          tpu.vector_store %arg24[%swap3A], %mul3A_200 {strides = array<i32>} : memref<6000xf32, #tpu.memory_space<vmem>>, vector<16xf32>,
          %mul3A_202 = arith.mulf %sub3A_196, %get3A_159 : vector<16xf32>
          %swap3A_203 = arith.index_cast %add3A_154 : i32 to index
          %swap3A_204 = tpu.vector_load %arg24[%swap3A_203] {strides = array<i32>} : memref<6000xf32, #tpu.memory_space<vmem>>, vector<16xf32>,
          tpu.vector_store %arg24[%swap3A_203], %mul3A_202 {strides = array<i32>} : memref<6000xf32, #tpu.memory_space<vmem>>, vector<16xf32>,
          %mul3A_205 = arith.mulf %sub3A_196, %get3A_161 : vector<16xf32>
          %swap3A_206 = arith.index_cast %add3A_156 : i32 to index
          %swap3A_207 = tpu.vector_load %arg24[%swap3A_206] {strides = array<i32>} : memref<6000xf32, #tpu.memory_space<vmem>>, vector<16xf32>,
          tpu.vector_store %arg24[%swap3A_206], %mul3A_205 {strides = array<i32>} : memref<6000xf32, #tpu.memory_space<vmem>>, vector<16xf32>,
          %mul3A_208 = arith.mulf %sub3A_199, %get3A_157 : vector<16xf32>
          %swap3A_209 = arith.index_cast %mul3A_152 : i32 to index
          %swap3A_210 = tpu.vector_load %arg25[%swap3A_209] {strides = array<i32>} : memref<6000xf32, #tpu.memory_space<vmem>>, vector<16xf32>,
          tpu.vector_store %arg25[%swap3A_209], %mul3A_208 {strides = array<i32>} : memref<6000xf32, #tpu.memory_space<vmem>>, vector<16xf32>,
          %mul3A_211 = arith.mulf %sub3A_199, %get3A_159 : vector<16xf32>
          %swap3A_212 = arith.index_cast %add3A_154 : i32 to index
          %swap3A_213 = tpu.vector_load %arg25[%swap3A_212] {strides = array<i32>} : memref<6000xf32, #tpu.memory_space<vmem>>, vector<16xf32>,
          tpu.vector_store %arg25[%swap3A_212], %mul3A_211 {strides = array<i32>} : memref<6000xf32, #tpu.memory_space<vmem>>, vector<16xf32>,
          %mul3A_214 = arith.mulf %sub3A_199, %get3A_161 : vector<16xf32>
          %swap3A_215 = arith.index_cast %add3A_156 : i32 to index
          %swap3A_216 = tpu.vector_load %arg25[%swap3A_215] {strides = array<i32>} : memref<6000xf32, #tpu.memory_space<vmem>>, vector<16xf32>,
          tpu.vector_store %arg25[%swap3A_215], %mul3A_214 {strides = array<i32>} : memref<6000xf32, #tpu.memory_space<vmem>>, vector<16xf32>,
          %get3A_217 = arith.index_cast %mul3A_152 : i32 to index
          %get3A_218 = tpu.vector_load %arg12[%get3A_217] {strides = array<i32>} : memref<2000xi32, #tpu.memory_space<vmem>>, vector<16xi32>,
          %mul3A_219 = arith.constant 3 : i32
          %mul3A_220 = vector.broadcast %mul3A_219 : i32 to vector<16xi32>
          %mul3A_221 = arith.muli %get3A_218, %mul3A_220 : vector<16xi32>
          %get3A_222 = arith.index_cast %mul3A_152 : i32 to index
          %get3A_223 = tpu.vector_load %arg13[%get3A_222] {strides = array<i32>} : memref<2000xi32, #tpu.memory_space<vmem>>, vector<16xi32>,
          %mul3A_224 = arith.constant 3 : i32
          %mul3A_225 = vector.broadcast %mul3A_224 : i32 to vector<16xi32>
          %mul3A_226 = arith.muli %get3A_223, %mul3A_225 : vector<16xi32>
          %swap3A_227 = arith.index_cast %mul3A_152 : i32 to index
          %swap3A_228 = tpu.vector_load %arg30[%swap3A_227] {strides = array<i32>} : memref<6000xi32, #tpu.memory_space<vmem>>, vector<16xi32>,
          tpu.vector_store %arg30[%swap3A_227], %mul3A_221 {strides = array<i32>} : memref<6000xi32, #tpu.memory_space<vmem>>, vector<16xi32>,
          %add3A_229 = arith.constant 1 : i32
          %add3A_230 = vector.broadcast %add3A_229 : i32 to vector<16xi32>
          %add3A_231 = arith.addi %mul3A_221, %add3A_230 : vector<16xi32>
          %swap3A_232 = arith.index_cast %add3A_154 : i32 to index
          %swap3A_233 = tpu.vector_load %arg30[%swap3A_232] {strides = array<i32>} : memref<6000xi32, #tpu.memory_space<vmem>>, vector<16xi32>,
          tpu.vector_store %arg30[%swap3A_232], %add3A_231 {strides = array<i32>} : memref<6000xi32, #tpu.memory_space<vmem>>, vector<16xi32>,
          %add3A_234 = arith.constant 2 : i32
          %add3A_235 = vector.broadcast %add3A_234 : i32 to vector<16xi32>
          %add3A_236 = arith.addi %mul3A_221, %add3A_235 : vector<16xi32>
          %swap3A_237 = arith.index_cast %add3A_156 : i32 to index
          %swap3A_238 = tpu.vector_load %arg30[%swap3A_237] {strides = array<i32>} : memref<6000xi32, #tpu.memory_space<vmem>>, vector<16xi32>,
          tpu.vector_store %arg30[%swap3A_237], %add3A_236 {strides = array<i32>} : memref<6000xi32, #tpu.memory_space<vmem>>, vector<16xi32>,
          %swap3A_239 = arith.index_cast %mul3A_152 : i32 to index
          %swap3A_240 = tpu.vector_load %arg31[%swap3A_239] {strides = array<i32>} : memref<6000xi32, #tpu.memory_space<vmem>>, vector<16xi32>,
          tpu.vector_store %arg31[%swap3A_239], %mul3A_226 {strides = array<i32>} : memref<6000xi32, #tpu.memory_space<vmem>>, vector<16xi32>,
          %add3A_241 = arith.constant 1 : i32
          %add3A_242 = vector.broadcast %add3A_241 : i32 to vector<16xi32>
          %add3A_243 = arith.addi %mul3A_226, %add3A_242 : vector<16xi32>
          %swap3A_244 = arith.index_cast %add3A_154 : i32 to index
          %swap3A_245 = tpu.vector_load %arg31[%swap3A_244] {strides = array<i32>} : memref<6000xi32, #tpu.memory_space<vmem>>, vector<16xi32>,
          tpu.vector_store %arg31[%swap3A_244], %add3A_243 {strides = array<i32>} : memref<6000xi32, #tpu.memory_space<vmem>>, vector<16xi32>,
          %add3A_246 = arith.constant 2 : i32
          %add3A_247 = vector.broadcast %add3A_246 : i32 to vector<16xi32>
          %add3A_248 = arith.addi %mul3A_226, %add3A_247 : vector<16xi32>
          %swap3A_249 = arith.index_cast %add3A_156 : i32 to index
          %swap3A_250 = tpu.vector_load %arg31[%swap3A_249] {strides = array<i32>} : memref<6000xi32, #tpu.memory_space<vmem>>, vector<16xi32>,
          tpu.vector_store %arg31[%swap3A_249], %add3A_248 {strides = array<i32>} : memref<6000xi32, #tpu.memory_space<vmem>>, vector<16xi32>,
        }
        %scan3A_145 = arith.constant 125 : i32
        %dma_start3A_146 = arith.constant 0 : i32
        %dma_start3A_147 = tpu.memref_slice %arg36[%dma_start3A_146] : memref<300000xf32, #tpu.memory_space<vmem_shared>> -> memref<300000xf32, #tpu.memory_space<vmem_shared>>
        tpu.enqueue_indirect_dma source(%arg24 : memref<6000xf32, #tpu.memory_space<vmem>>) target(%dma_start3A_147 : memref<300000xf32, #tpu.memory_space<vmem_shared>>) offsets(%arg30 : memref<6000xi32, #tpu.memory_space<vmem>>) semaphore(%arg40 : memref<!tpu.dma_semaphore, #tpu.memory_space<semaphore_mem>>) {add = true}
        %dma_start3A_148 = arith.constant 0 : i32
        %dma_start3A_149 = tpu.memref_slice %arg36[%dma_start3A_148] : memref<300000xf32, #tpu.memory_space<vmem_shared>> -> memref<300000xf32, #tpu.memory_space<vmem_shared>>
        tpu.enqueue_indirect_dma source(%arg25 : memref<6000xf32, #tpu.memory_space<vmem>>) target(%dma_start3A_149 : memref<300000xf32, #tpu.memory_space<vmem_shared>>) offsets(%arg31 : memref<6000xi32, #tpu.memory_space<vmem>>) semaphore(%arg40 : memref<!tpu.dma_semaphore, #tpu.memory_space<semaphore_mem>>) {add = true}
      } else {
      }
      %jit3A_69 = arith.constant 3 : i32
      %eq3A_70 = arith.constant 0 : i32
      %eq3A_71 = arith.cmpi eq, %jit3A_69, %eq3A_70 : i32
      %jit3A_72 = arith.constant 1 : i32
      %select_n3A_73 = arith.select %eq3A_71, %jit3A_72, %jit3A_69 : i32
      %rem3A_74 = arith.remsi %scan3A_52, %select_n3A_73 : i32
      %ne3A_75 = arith.constant 0 : i32
      %ne3A_76 = arith.cmpi ne, %rem3A_74, %ne3A_75 : i32
      %lt3A_77 = arith.constant 0 : i32
      %lt3A_78 = arith.cmpi slt, %rem3A_74, %lt3A_77 : i32
      %lt3A_79 = arith.constant 0 : i32
      %lt3A_80 = arith.cmpi slt, %select_n3A_73, %lt3A_79 : i32
      %ne3A_81 = arith.xori %lt3A_78, %lt3A_80 : i1
      %and3A_82 = arith.andi %ne3A_81, %ne3A_76 : i1
      %add3A_83 = arith.addi %rem3A_74, %select_n3A_73 : i32
      %select_n3A_84 = arith.select %and3A_82, %add3A_83, %rem3A_74 : i32
      %eq3A_85 = arith.constant 1 : i32
      %eq3A_86 = arith.cmpi eq, %select_n3A_84, %eq3A_85 : i32
      %convert_element_type3A_87 = arith.extui %eq3A_86 : i1 to i32
      %cond3A_88 = arith.constant 0 : i32
      %cond3A_89 = arith.cmpi ne, %convert_element_type3A_87, %cond3A_88 : i32
      scf.if %cond3A_89 {
        %dma_wait3A_111 = arith.constant 0 : i32
        %dma_wait3A_112 = tpu.memref_slice %arg2[%dma_wait3A_111] : memref<6400000xf32, #tpu.memory_space<hbm>> -> memref<2000xf32, #tpu.memory_space<hbm>>
        %dma_wait3A_113 = arith.constant 0 : i32
        %dma_wait3A_114 = tpu.memref_slice %arg2[%dma_wait3A_113] : memref<6400000xf32, #tpu.memory_space<hbm>> -> memref<2000xf32, #tpu.memory_space<hbm>>
        tpu.wait_dma2 semaphore(%arg38 : memref<!tpu.dma_semaphore, #tpu.memory_space<semaphore_mem>>) src(%dma_wait3A_114 : memref<2000xf32, #tpu.memory_space<hbm>>) dst(%arg14 : memref<2000xf32, #tpu.memory_space<vmem>>)
        %dma_wait3A_115 = arith.constant 0 : i32
        %dma_wait3A_116 = tpu.memref_slice %arg3[%dma_wait3A_115] : memref<6400000xf32, #tpu.memory_space<hbm>> -> memref<2000xf32, #tpu.memory_space<hbm>>
        %dma_wait3A_117 = arith.constant 0 : i32
        %dma_wait3A_118 = tpu.memref_slice %arg3[%dma_wait3A_117] : memref<6400000xf32, #tpu.memory_space<hbm>> -> memref<2000xf32, #tpu.memory_space<hbm>>
        tpu.wait_dma2 semaphore(%arg38 : memref<!tpu.dma_semaphore, #tpu.memory_space<semaphore_mem>>) src(%dma_wait3A_118 : memref<2000xf32, #tpu.memory_space<hbm>>) dst(%arg15 : memref<2000xf32, #tpu.memory_space<vmem>>)
        %dma_wait3A_119 = arith.constant 0 : i32
        %dma_wait3A_120 = tpu.memref_slice %arg4[%dma_wait3A_119] : memref<6400000xf32, #tpu.memory_space<hbm>> -> memref<2000xf32, #tpu.memory_space<hbm>>
        %dma_wait3A_121 = arith.constant 0 : i32
        %dma_wait3A_122 = tpu.memref_slice %arg4[%dma_wait3A_121] : memref<6400000xf32, #tpu.memory_space<hbm>> -> memref<2000xf32, #tpu.memory_space<hbm>>
        tpu.wait_dma2 semaphore(%arg38 : memref<!tpu.dma_semaphore, #tpu.memory_space<semaphore_mem>>) src(%dma_wait3A_122 : memref<2000xf32, #tpu.memory_space<hbm>>) dst(%arg16 : memref<2000xf32, #tpu.memory_space<vmem>>)
        %dma_wait3A_123 = arith.constant 0 : i32
        %dma_wait3A_124 = tpu.memref_slice %arg5[%dma_wait3A_123] : memref<6400000xi32, #tpu.memory_space<hbm>> -> memref<2000xi32, #tpu.memory_space<hbm>>
        %dma_wait3A_125 = arith.constant 0 : i32
        %dma_wait3A_126 = tpu.memref_slice %arg5[%dma_wait3A_125] : memref<6400000xi32, #tpu.memory_space<hbm>> -> memref<2000xi32, #tpu.memory_space<hbm>>
        tpu.wait_dma2 semaphore(%arg38 : memref<!tpu.dma_semaphore, #tpu.memory_space<semaphore_mem>>) src(%dma_wait3A_126 : memref<2000xi32, #tpu.memory_space<hbm>>) dst(%arg17 : memref<2000xi32, #tpu.memory_space<vmem>>)
        %dma_wait3A_127 = arith.constant 0 : i32
        %dma_wait3A_128 = tpu.memref_slice %arg6[%dma_wait3A_127] : memref<6400000xi32, #tpu.memory_space<hbm>> -> memref<2000xi32, #tpu.memory_space<hbm>>
        %dma_wait3A_129 = arith.constant 0 : i32
        %dma_wait3A_130 = tpu.memref_slice %arg6[%dma_wait3A_129] : memref<6400000xi32, #tpu.memory_space<hbm>> -> memref<2000xi32, #tpu.memory_space<hbm>>
        tpu.wait_dma2 semaphore(%arg38 : memref<!tpu.dma_semaphore, #tpu.memory_space<semaphore_mem>>) src(%dma_wait3A_130 : memref<2000xi32, #tpu.memory_space<hbm>>) dst(%arg18 : memref<2000xi32, #tpu.memory_space<vmem>>)
        %lt3A_131 = arith.constant 99 : i32
        %lt3A_132 = arith.cmpi slt, %scan3A_52, %lt3A_131 : i32
        %convert_element_type3A_133 = arith.extui %lt3A_132 : i1 to i32
        %cond3A_134 = arith.constant 0 : i32
        %cond3A_135 = arith.cmpi ne, %convert_element_type3A_133, %cond3A_134 : i32
        scf.if %cond3A_135 {
          %add3A_150 = arith.constant 1 : i32
          %add3A_151 = arith.addi %scan3A_52, %add3A_150 : i32
          %add3A_152 = arith.addi %mul3A_10, %add3A_151 : i32
          %mul3A_153 = arith.constant 2000 : i32
          %mul3A_154 = arith.muli %add3A_152, %mul3A_153 : i32
          %dma_start3A_155 = tpu.memref_slice %arg2[%mul3A_154] : memref<6400000xf32, #tpu.memory_space<hbm>> -> memref<2000xf32, #tpu.memory_space<hbm>>
          %dma_start3A_156 = tpu.memref_slice %arg2[%mul3A_154] : memref<6400000xf32, #tpu.memory_space<hbm>> -> memref<2000xf32, #tpu.memory_space<hbm>>
          tpu.enqueue_dma source(%dma_start3A_156 : memref<2000xf32, #tpu.memory_space<hbm>>) target(%arg19 : memref<2000xf32, #tpu.memory_space<vmem>>) target_semaphore(%arg39 : memref<!tpu.dma_semaphore, #tpu.memory_space<semaphore_mem>>)
          %dma_start3A_157 = tpu.memref_slice %arg3[%mul3A_154] : memref<6400000xf32, #tpu.memory_space<hbm>> -> memref<2000xf32, #tpu.memory_space<hbm>>
          %dma_start3A_158 = tpu.memref_slice %arg3[%mul3A_154] : memref<6400000xf32, #tpu.memory_space<hbm>> -> memref<2000xf32, #tpu.memory_space<hbm>>
          tpu.enqueue_dma source(%dma_start3A_158 : memref<2000xf32, #tpu.memory_space<hbm>>) target(%arg20 : memref<2000xf32, #tpu.memory_space<vmem>>) target_semaphore(%arg39 : memref<!tpu.dma_semaphore, #tpu.memory_space<semaphore_mem>>)
          %dma_start3A_159 = tpu.memref_slice %arg4[%mul3A_154] : memref<6400000xf32, #tpu.memory_space<hbm>> -> memref<2000xf32, #tpu.memory_space<hbm>>
          %dma_start3A_160 = tpu.memref_slice %arg4[%mul3A_154] : memref<6400000xf32, #tpu.memory_space<hbm>> -> memref<2000xf32, #tpu.memory_space<hbm>>
          tpu.enqueue_dma source(%dma_start3A_160 : memref<2000xf32, #tpu.memory_space<hbm>>) target(%arg21 : memref<2000xf32, #tpu.memory_space<vmem>>) target_semaphore(%arg39 : memref<!tpu.dma_semaphore, #tpu.memory_space<semaphore_mem>>)
          %dma_start3A_161 = tpu.memref_slice %arg5[%mul3A_154] : memref<6400000xi32, #tpu.memory_space<hbm>> -> memref<2000xi32, #tpu.memory_space<hbm>>
          %dma_start3A_162 = tpu.memref_slice %arg5[%mul3A_154] : memref<6400000xi32, #tpu.memory_space<hbm>> -> memref<2000xi32, #tpu.memory_space<hbm>>
          tpu.enqueue_dma source(%dma_start3A_162 : memref<2000xi32, #tpu.memory_space<hbm>>) target(%arg22 : memref<2000xi32, #tpu.memory_space<vmem>>) target_semaphore(%arg39 : memref<!tpu.dma_semaphore, #tpu.memory_space<semaphore_mem>>)
          %dma_start3A_163 = tpu.memref_slice %arg6[%mul3A_154] : memref<6400000xi32, #tpu.memory_space<hbm>> -> memref<2000xi32, #tpu.memory_space<hbm>>
          %dma_start3A_164 = tpu.memref_slice %arg6[%mul3A_154] : memref<6400000xi32, #tpu.memory_space<hbm>> -> memref<2000xi32, #tpu.memory_space<hbm>>
          tpu.enqueue_dma source(%dma_start3A_164 : memref<2000xi32, #tpu.memory_space<hbm>>) target(%arg23 : memref<2000xi32, #tpu.memory_space<vmem>>) target_semaphore(%arg39 : memref<!tpu.dma_semaphore, #tpu.memory_space<semaphore_mem>>)
        } else {
        }
        %ge3A = arith.constant 3 : i32
        %ge3A_136 = arith.cmpi sge, %scan3A_52, %ge3A : i32
        %convert_element_type3A_137 = arith.extui %ge3A_136 : i1 to i32
        %cond3A_138 = arith.constant 0 : i32
        %cond3A_139 = arith.cmpi ne, %convert_element_type3A_137, %cond3A_138 : i32
        scf.if %cond3A_139 {
          %dma_wait3A_150 = arith.constant 0 : i32
          %dma_wait3A_151 = tpu.memref_slice %arg36[%dma_wait3A_150] : memref<300000xf32, #tpu.memory_space<vmem_shared>> -> memref<300000xf32, #tpu.memory_space<vmem_shared>>
          tpu.wait_indirect_dma semaphore(%arg41 : memref<!tpu.dma_semaphore, #tpu.memory_space<semaphore_mem>>) src(%arg26 : memref<6000xf32, #tpu.memory_space<vmem>>) dst(%dma_wait3A_151 : memref<300000xf32, #tpu.memory_space<vmem_shared>>)
          %dma_wait3A_152 = arith.constant 0 : i32
          %dma_wait3A_153 = tpu.memref_slice %arg36[%dma_wait3A_152] : memref<300000xf32, #tpu.memory_space<vmem_shared>> -> memref<300000xf32, #tpu.memory_space<vmem_shared>>
          tpu.wait_indirect_dma semaphore(%arg41 : memref<!tpu.dma_semaphore, #tpu.memory_space<semaphore_mem>>) src(%arg27 : memref<6000xf32, #tpu.memory_space<vmem>>) dst(%dma_wait3A_153 : memref<300000xf32, #tpu.memory_space<vmem_shared>>)
        } else {
        }
        %scan3A_140 = arith.constant 0 : i32
        %scan3A_141 = arith.constant 0 : i32
        %scan3A_142 = arith.constant 125 : i32
        %scan3A_143 = arith.addi %scan3A_141, %scan3A_142 : i32
        %scan3A_144 = arith.constant 1 : i32
        scf.for %scan3A_150 = %scan3A_141 to %scan3A_143 step %scan3A_144  : i32 {
          %mul3A_151 = arith.constant 16 : i32
          %mul3A_152 = arith.muli %scan3A_150, %mul3A_151 : i32
          %add3A_153 = arith.constant 2000 : i32
          %add3A_154 = arith.addi %mul3A_152, %add3A_153 : i32
          %add3A_155 = arith.constant 4000 : i32
          %add3A_156 = arith.addi %mul3A_152, %add3A_155 : i32
          %get3A = arith.index_cast %mul3A_152 : i32 to index
          %get3A_157 = tpu.vector_load %arg14[%get3A] {strides = array<i32>} : memref<2000xf32, #tpu.memory_space<vmem>>, vector<16xf32>,
          %get3A_158 = arith.index_cast %mul3A_152 : i32 to index
          %get3A_159 = tpu.vector_load %arg15[%get3A_158] {strides = array<i32>} : memref<2000xf32, #tpu.memory_space<vmem>>, vector<16xf32>,
          %get3A_160 = arith.index_cast %mul3A_152 : i32 to index
          %get3A_161 = tpu.vector_load %arg16[%get3A_160] {strides = array<i32>} : memref<2000xf32, #tpu.memory_space<vmem>>, vector<16xf32>,
          %mul3A_162 = arith.mulf %get3A_157, %get3A_157 : vector<16xf32>
          %mul3A_163 = arith.mulf %get3A_159, %get3A_159 : vector<16xf32>
          %add3A_164 = arith.addf %mul3A_162, %mul3A_163 : vector<16xf32>
          %mul3A_165 = arith.mulf %get3A_161, %get3A_161 : vector<16xf32>
          %add3A_166 = arith.addf %add3A_164, %mul3A_165 : vector<16xf32>
          %add3A_167 = arith.constant 9.99999996E-13 : f32
          %add3A_168 = vector.broadcast %add3A_167 : f32 to vector<16xf32>
          %add3A_169 = arith.addf %add3A_166, %add3A_168 : vector<16xf32>
          %bitcast3A = vector.bitcast %add3A_169 : vector<16xf32> to vector<16xi32>
          %shift_right_logical3A = arith.constant 1 : i32
          %shift_right_logical3A_170 = vector.broadcast %shift_right_logical3A : i32 to vector<16xi32>
          %shift_right_logical3A_171 = arith.shrui %bitcast3A, %shift_right_logical3A_170 : vector<16xi32>
          %sub3A = arith.subi %broadcast_in_dim3A_11, %shift_right_logical3A_171 : vector<16xi32>
          %bitcast3A_172 = vector.bitcast %sub3A : vector<16xi32> to vector<16xf32>
          %mul3A_173 = arith.constant 5.000000e-01 : f32
          %mul3A_174 = vector.broadcast %mul3A_173 : f32 to vector<16xf32>
          %mul3A_175 = arith.mulf %add3A_169, %mul3A_174 : vector<16xf32>
          %mul3A_176 = arith.mulf %mul3A_175, %bitcast3A_172 : vector<16xf32>
          %mul3A_177 = arith.mulf %mul3A_176, %bitcast3A_172 : vector<16xf32>
          %sub3A_178 = arith.constant 1.500000e+00 : f32
          %sub3A_179 = vector.broadcast %sub3A_178 : f32 to vector<16xf32>
          %sub3A_180 = arith.subf %sub3A_179, %mul3A_177 : vector<16xf32>
          %mul3A_181 = arith.mulf %bitcast3A_172, %sub3A_180 : vector<16xf32>
          %mul3A_182 = arith.mulf %mul3A_175, %mul3A_181 : vector<16xf32>
          %mul3A_183 = arith.mulf %mul3A_182, %mul3A_181 : vector<16xf32>
          %sub3A_184 = arith.constant 1.500000e+00 : f32
          %sub3A_185 = vector.broadcast %sub3A_184 : f32 to vector<16xf32>
          %sub3A_186 = arith.subf %sub3A_185, %mul3A_183 : vector<16xf32>
          %mul3A_187 = arith.mulf %mul3A_181, %sub3A_186 : vector<16xf32>
          %mul3A_188 = arith.mulf %mul3A_175, %mul3A_187 : vector<16xf32>
          %mul3A_189 = arith.mulf %mul3A_188, %mul3A_187 : vector<16xf32>
          %sub3A_190 = arith.constant 1.500000e+00 : f32
          %sub3A_191 = vector.broadcast %sub3A_190 : f32 to vector<16xf32>
          %sub3A_192 = arith.subf %sub3A_191, %mul3A_189 : vector<16xf32>
          %mul3A_193 = arith.mulf %mul3A_187, %sub3A_192 : vector<16xf32>
          %sub3A_194 = arith.constant 1.000000e+00 : f32
          %sub3A_195 = vector.broadcast %sub3A_194 : f32 to vector<16xf32>
          %sub3A_196 = arith.subf %sub3A_195, %mul3A_193 : vector<16xf32>
          %sub3A_197 = arith.constant 1.000000e+00 : f32
          %sub3A_198 = vector.broadcast %sub3A_197 : f32 to vector<16xf32>
          %sub3A_199 = arith.subf %mul3A_193, %sub3A_198 : vector<16xf32>
          %mul3A_200 = arith.mulf %sub3A_196, %get3A_157 : vector<16xf32>
          %swap3A = arith.index_cast %mul3A_152 : i32 to index
          %swap3A_201 = tpu.vector_load %arg26[%swap3A] {strides = array<i32>} : memref<6000xf32, #tpu.memory_space<vmem>>, vector<16xf32>,
          tpu.vector_store %arg26[%swap3A], %mul3A_200 {strides = array<i32>} : memref<6000xf32, #tpu.memory_space<vmem>>, vector<16xf32>,
          %mul3A_202 = arith.mulf %sub3A_196, %get3A_159 : vector<16xf32>
          %swap3A_203 = arith.index_cast %add3A_154 : i32 to index
          %swap3A_204 = tpu.vector_load %arg26[%swap3A_203] {strides = array<i32>} : memref<6000xf32, #tpu.memory_space<vmem>>, vector<16xf32>,
          tpu.vector_store %arg26[%swap3A_203], %mul3A_202 {strides = array<i32>} : memref<6000xf32, #tpu.memory_space<vmem>>, vector<16xf32>,
          %mul3A_205 = arith.mulf %sub3A_196, %get3A_161 : vector<16xf32>
          %swap3A_206 = arith.index_cast %add3A_156 : i32 to index
          %swap3A_207 = tpu.vector_load %arg26[%swap3A_206] {strides = array<i32>} : memref<6000xf32, #tpu.memory_space<vmem>>, vector<16xf32>,
          tpu.vector_store %arg26[%swap3A_206], %mul3A_205 {strides = array<i32>} : memref<6000xf32, #tpu.memory_space<vmem>>, vector<16xf32>,
          %mul3A_208 = arith.mulf %sub3A_199, %get3A_157 : vector<16xf32>
          %swap3A_209 = arith.index_cast %mul3A_152 : i32 to index
          %swap3A_210 = tpu.vector_load %arg27[%swap3A_209] {strides = array<i32>} : memref<6000xf32, #tpu.memory_space<vmem>>, vector<16xf32>,
          tpu.vector_store %arg27[%swap3A_209], %mul3A_208 {strides = array<i32>} : memref<6000xf32, #tpu.memory_space<vmem>>, vector<16xf32>,
          %mul3A_211 = arith.mulf %sub3A_199, %get3A_159 : vector<16xf32>
          %swap3A_212 = arith.index_cast %add3A_154 : i32 to index
          %swap3A_213 = tpu.vector_load %arg27[%swap3A_212] {strides = array<i32>} : memref<6000xf32, #tpu.memory_space<vmem>>, vector<16xf32>,
          tpu.vector_store %arg27[%swap3A_212], %mul3A_211 {strides = array<i32>} : memref<6000xf32, #tpu.memory_space<vmem>>, vector<16xf32>,
          %mul3A_214 = arith.mulf %sub3A_199, %get3A_161 : vector<16xf32>
          %swap3A_215 = arith.index_cast %add3A_156 : i32 to index
          %swap3A_216 = tpu.vector_load %arg27[%swap3A_215] {strides = array<i32>} : memref<6000xf32, #tpu.memory_space<vmem>>, vector<16xf32>,
          tpu.vector_store %arg27[%swap3A_215], %mul3A_214 {strides = array<i32>} : memref<6000xf32, #tpu.memory_space<vmem>>, vector<16xf32>,
          %get3A_217 = arith.index_cast %mul3A_152 : i32 to index
          %get3A_218 = tpu.vector_load %arg17[%get3A_217] {strides = array<i32>} : memref<2000xi32, #tpu.memory_space<vmem>>, vector<16xi32>,
          %mul3A_219 = arith.constant 3 : i32
          %mul3A_220 = vector.broadcast %mul3A_219 : i32 to vector<16xi32>
          %mul3A_221 = arith.muli %get3A_218, %mul3A_220 : vector<16xi32>
          %get3A_222 = arith.index_cast %mul3A_152 : i32 to index
          %get3A_223 = tpu.vector_load %arg18[%get3A_222] {strides = array<i32>} : memref<2000xi32, #tpu.memory_space<vmem>>, vector<16xi32>,
          %mul3A_224 = arith.constant 3 : i32
          %mul3A_225 = vector.broadcast %mul3A_224 : i32 to vector<16xi32>
          %mul3A_226 = arith.muli %get3A_223, %mul3A_225 : vector<16xi32>
          %swap3A_227 = arith.index_cast %mul3A_152 : i32 to index
          %swap3A_228 = tpu.vector_load %arg32[%swap3A_227] {strides = array<i32>} : memref<6000xi32, #tpu.memory_space<vmem>>, vector<16xi32>,
          tpu.vector_store %arg32[%swap3A_227], %mul3A_221 {strides = array<i32>} : memref<6000xi32, #tpu.memory_space<vmem>>, vector<16xi32>,
          %add3A_229 = arith.constant 1 : i32
          %add3A_230 = vector.broadcast %add3A_229 : i32 to vector<16xi32>
          %add3A_231 = arith.addi %mul3A_221, %add3A_230 : vector<16xi32>
          %swap3A_232 = arith.index_cast %add3A_154 : i32 to index
          %swap3A_233 = tpu.vector_load %arg32[%swap3A_232] {strides = array<i32>} : memref<6000xi32, #tpu.memory_space<vmem>>, vector<16xi32>,
          tpu.vector_store %arg32[%swap3A_232], %add3A_231 {strides = array<i32>} : memref<6000xi32, #tpu.memory_space<vmem>>, vector<16xi32>,
          %add3A_234 = arith.constant 2 : i32
          %add3A_235 = vector.broadcast %add3A_234 : i32 to vector<16xi32>
          %add3A_236 = arith.addi %mul3A_221, %add3A_235 : vector<16xi32>
          %swap3A_237 = arith.index_cast %add3A_156 : i32 to index
          %swap3A_238 = tpu.vector_load %arg32[%swap3A_237] {strides = array<i32>} : memref<6000xi32, #tpu.memory_space<vmem>>, vector<16xi32>,
          tpu.vector_store %arg32[%swap3A_237], %add3A_236 {strides = array<i32>} : memref<6000xi32, #tpu.memory_space<vmem>>, vector<16xi32>,
          %swap3A_239 = arith.index_cast %mul3A_152 : i32 to index
          %swap3A_240 = tpu.vector_load %arg33[%swap3A_239] {strides = array<i32>} : memref<6000xi32, #tpu.memory_space<vmem>>, vector<16xi32>,
          tpu.vector_store %arg33[%swap3A_239], %mul3A_226 {strides = array<i32>} : memref<6000xi32, #tpu.memory_space<vmem>>, vector<16xi32>,
          %add3A_241 = arith.constant 1 : i32
          %add3A_242 = vector.broadcast %add3A_241 : i32 to vector<16xi32>
          %add3A_243 = arith.addi %mul3A_226, %add3A_242 : vector<16xi32>
          %swap3A_244 = arith.index_cast %add3A_154 : i32 to index
          %swap3A_245 = tpu.vector_load %arg33[%swap3A_244] {strides = array<i32>} : memref<6000xi32, #tpu.memory_space<vmem>>, vector<16xi32>,
          tpu.vector_store %arg33[%swap3A_244], %add3A_243 {strides = array<i32>} : memref<6000xi32, #tpu.memory_space<vmem>>, vector<16xi32>,
          %add3A_246 = arith.constant 2 : i32
          %add3A_247 = vector.broadcast %add3A_246 : i32 to vector<16xi32>
          %add3A_248 = arith.addi %mul3A_226, %add3A_247 : vector<16xi32>
          %swap3A_249 = arith.index_cast %add3A_156 : i32 to index
          %swap3A_250 = tpu.vector_load %arg33[%swap3A_249] {strides = array<i32>} : memref<6000xi32, #tpu.memory_space<vmem>>, vector<16xi32>,
          tpu.vector_store %arg33[%swap3A_249], %add3A_248 {strides = array<i32>} : memref<6000xi32, #tpu.memory_space<vmem>>, vector<16xi32>,
        }
        %scan3A_145 = arith.constant 125 : i32
        %dma_start3A_146 = arith.constant 0 : i32
        %dma_start3A_147 = tpu.memref_slice %arg36[%dma_start3A_146] : memref<300000xf32, #tpu.memory_space<vmem_shared>> -> memref<300000xf32, #tpu.memory_space<vmem_shared>>
        tpu.enqueue_indirect_dma source(%arg26 : memref<6000xf32, #tpu.memory_space<vmem>>) target(%dma_start3A_147 : memref<300000xf32, #tpu.memory_space<vmem_shared>>) offsets(%arg32 : memref<6000xi32, #tpu.memory_space<vmem>>) semaphore(%arg41 : memref<!tpu.dma_semaphore, #tpu.memory_space<semaphore_mem>>) {add = true}
        %dma_start3A_148 = arith.constant 0 : i32
        %dma_start3A_149 = tpu.memref_slice %arg36[%dma_start3A_148] : memref<300000xf32, #tpu.memory_space<vmem_shared>> -> memref<300000xf32, #tpu.memory_space<vmem_shared>>
        tpu.enqueue_indirect_dma source(%arg27 : memref<6000xf32, #tpu.memory_space<vmem>>) target(%dma_start3A_149 : memref<300000xf32, #tpu.memory_space<vmem_shared>>) offsets(%arg33 : memref<6000xi32, #tpu.memory_space<vmem>>) semaphore(%arg41 : memref<!tpu.dma_semaphore, #tpu.memory_space<semaphore_mem>>) {add = true}
      } else {
      }
      %jit3A_90 = arith.constant 3 : i32
      %eq3A_91 = arith.constant 0 : i32
      %eq3A_92 = arith.cmpi eq, %jit3A_90, %eq3A_91 : i32
      %jit3A_93 = arith.constant 1 : i32
      %select_n3A_94 = arith.select %eq3A_92, %jit3A_93, %jit3A_90 : i32
      %rem3A_95 = arith.remsi %scan3A_52, %select_n3A_94 : i32
      %ne3A_96 = arith.constant 0 : i32
      %ne3A_97 = arith.cmpi ne, %rem3A_95, %ne3A_96 : i32
      %lt3A_98 = arith.constant 0 : i32
      %lt3A_99 = arith.cmpi slt, %rem3A_95, %lt3A_98 : i32
      %lt3A_100 = arith.constant 0 : i32
      %lt3A_101 = arith.cmpi slt, %select_n3A_94, %lt3A_100 : i32
      %ne3A_102 = arith.xori %lt3A_99, %lt3A_101 : i1
      %and3A_103 = arith.andi %ne3A_102, %ne3A_97 : i1
      %add3A_104 = arith.addi %rem3A_95, %select_n3A_94 : i32
      %select_n3A_105 = arith.select %and3A_103, %add3A_104, %rem3A_95 : i32
      %eq3A_106 = arith.constant 2 : i32
      %eq3A_107 = arith.cmpi eq, %select_n3A_105, %eq3A_106 : i32
      %convert_element_type3A_108 = arith.extui %eq3A_107 : i1 to i32
      %cond3A_109 = arith.constant 0 : i32
      %cond3A_110 = arith.cmpi ne, %convert_element_type3A_108, %cond3A_109 : i32
      scf.if %cond3A_110 {
        %dma_wait3A_111 = arith.constant 0 : i32
        %dma_wait3A_112 = tpu.memref_slice %arg2[%dma_wait3A_111] : memref<6400000xf32, #tpu.memory_space<hbm>> -> memref<2000xf32, #tpu.memory_space<hbm>>
        %dma_wait3A_113 = arith.constant 0 : i32
        %dma_wait3A_114 = tpu.memref_slice %arg2[%dma_wait3A_113] : memref<6400000xf32, #tpu.memory_space<hbm>> -> memref<2000xf32, #tpu.memory_space<hbm>>
        tpu.wait_dma2 semaphore(%arg39 : memref<!tpu.dma_semaphore, #tpu.memory_space<semaphore_mem>>) src(%dma_wait3A_114 : memref<2000xf32, #tpu.memory_space<hbm>>) dst(%arg19 : memref<2000xf32, #tpu.memory_space<vmem>>)
        %dma_wait3A_115 = arith.constant 0 : i32
        %dma_wait3A_116 = tpu.memref_slice %arg3[%dma_wait3A_115] : memref<6400000xf32, #tpu.memory_space<hbm>> -> memref<2000xf32, #tpu.memory_space<hbm>>
        %dma_wait3A_117 = arith.constant 0 : i32
        %dma_wait3A_118 = tpu.memref_slice %arg3[%dma_wait3A_117] : memref<6400000xf32, #tpu.memory_space<hbm>> -> memref<2000xf32, #tpu.memory_space<hbm>>
        tpu.wait_dma2 semaphore(%arg39 : memref<!tpu.dma_semaphore, #tpu.memory_space<semaphore_mem>>) src(%dma_wait3A_118 : memref<2000xf32, #tpu.memory_space<hbm>>) dst(%arg20 : memref<2000xf32, #tpu.memory_space<vmem>>)
        %dma_wait3A_119 = arith.constant 0 : i32
        %dma_wait3A_120 = tpu.memref_slice %arg4[%dma_wait3A_119] : memref<6400000xf32, #tpu.memory_space<hbm>> -> memref<2000xf32, #tpu.memory_space<hbm>>
        %dma_wait3A_121 = arith.constant 0 : i32
        %dma_wait3A_122 = tpu.memref_slice %arg4[%dma_wait3A_121] : memref<6400000xf32, #tpu.memory_space<hbm>> -> memref<2000xf32, #tpu.memory_space<hbm>>
        tpu.wait_dma2 semaphore(%arg39 : memref<!tpu.dma_semaphore, #tpu.memory_space<semaphore_mem>>) src(%dma_wait3A_122 : memref<2000xf32, #tpu.memory_space<hbm>>) dst(%arg21 : memref<2000xf32, #tpu.memory_space<vmem>>)
        %dma_wait3A_123 = arith.constant 0 : i32
        %dma_wait3A_124 = tpu.memref_slice %arg5[%dma_wait3A_123] : memref<6400000xi32, #tpu.memory_space<hbm>> -> memref<2000xi32, #tpu.memory_space<hbm>>
        %dma_wait3A_125 = arith.constant 0 : i32
        %dma_wait3A_126 = tpu.memref_slice %arg5[%dma_wait3A_125] : memref<6400000xi32, #tpu.memory_space<hbm>> -> memref<2000xi32, #tpu.memory_space<hbm>>
        tpu.wait_dma2 semaphore(%arg39 : memref<!tpu.dma_semaphore, #tpu.memory_space<semaphore_mem>>) src(%dma_wait3A_126 : memref<2000xi32, #tpu.memory_space<hbm>>) dst(%arg22 : memref<2000xi32, #tpu.memory_space<vmem>>)
        %dma_wait3A_127 = arith.constant 0 : i32
        %dma_wait3A_128 = tpu.memref_slice %arg6[%dma_wait3A_127] : memref<6400000xi32, #tpu.memory_space<hbm>> -> memref<2000xi32, #tpu.memory_space<hbm>>
        %dma_wait3A_129 = arith.constant 0 : i32
        %dma_wait3A_130 = tpu.memref_slice %arg6[%dma_wait3A_129] : memref<6400000xi32, #tpu.memory_space<hbm>> -> memref<2000xi32, #tpu.memory_space<hbm>>
        tpu.wait_dma2 semaphore(%arg39 : memref<!tpu.dma_semaphore, #tpu.memory_space<semaphore_mem>>) src(%dma_wait3A_130 : memref<2000xi32, #tpu.memory_space<hbm>>) dst(%arg23 : memref<2000xi32, #tpu.memory_space<vmem>>)
        %lt3A_131 = arith.constant 99 : i32
        %lt3A_132 = arith.cmpi slt, %scan3A_52, %lt3A_131 : i32
        %convert_element_type3A_133 = arith.extui %lt3A_132 : i1 to i32
        %cond3A_134 = arith.constant 0 : i32
        %cond3A_135 = arith.cmpi ne, %convert_element_type3A_133, %cond3A_134 : i32
        scf.if %cond3A_135 {
          %add3A_150 = arith.constant 1 : i32
          %add3A_151 = arith.addi %scan3A_52, %add3A_150 : i32
          %add3A_152 = arith.addi %mul3A_10, %add3A_151 : i32
          %mul3A_153 = arith.constant 2000 : i32
          %mul3A_154 = arith.muli %add3A_152, %mul3A_153 : i32
          %dma_start3A_155 = tpu.memref_slice %arg2[%mul3A_154] : memref<6400000xf32, #tpu.memory_space<hbm>> -> memref<2000xf32, #tpu.memory_space<hbm>>
          %dma_start3A_156 = tpu.memref_slice %arg2[%mul3A_154] : memref<6400000xf32, #tpu.memory_space<hbm>> -> memref<2000xf32, #tpu.memory_space<hbm>>
          tpu.enqueue_dma source(%dma_start3A_156 : memref<2000xf32, #tpu.memory_space<hbm>>) target(%arg9 : memref<2000xf32, #tpu.memory_space<vmem>>) target_semaphore(%arg37 : memref<!tpu.dma_semaphore, #tpu.memory_space<semaphore_mem>>)
          %dma_start3A_157 = tpu.memref_slice %arg3[%mul3A_154] : memref<6400000xf32, #tpu.memory_space<hbm>> -> memref<2000xf32, #tpu.memory_space<hbm>>
          %dma_start3A_158 = tpu.memref_slice %arg3[%mul3A_154] : memref<6400000xf32, #tpu.memory_space<hbm>> -> memref<2000xf32, #tpu.memory_space<hbm>>
          tpu.enqueue_dma source(%dma_start3A_158 : memref<2000xf32, #tpu.memory_space<hbm>>) target(%arg10 : memref<2000xf32, #tpu.memory_space<vmem>>) target_semaphore(%arg37 : memref<!tpu.dma_semaphore, #tpu.memory_space<semaphore_mem>>)
          %dma_start3A_159 = tpu.memref_slice %arg4[%mul3A_154] : memref<6400000xf32, #tpu.memory_space<hbm>> -> memref<2000xf32, #tpu.memory_space<hbm>>
          %dma_start3A_160 = tpu.memref_slice %arg4[%mul3A_154] : memref<6400000xf32, #tpu.memory_space<hbm>> -> memref<2000xf32, #tpu.memory_space<hbm>>
          tpu.enqueue_dma source(%dma_start3A_160 : memref<2000xf32, #tpu.memory_space<hbm>>) target(%arg11 : memref<2000xf32, #tpu.memory_space<vmem>>) target_semaphore(%arg37 : memref<!tpu.dma_semaphore, #tpu.memory_space<semaphore_mem>>)
          %dma_start3A_161 = tpu.memref_slice %arg5[%mul3A_154] : memref<6400000xi32, #tpu.memory_space<hbm>> -> memref<2000xi32, #tpu.memory_space<hbm>>
          %dma_start3A_162 = tpu.memref_slice %arg5[%mul3A_154] : memref<6400000xi32, #tpu.memory_space<hbm>> -> memref<2000xi32, #tpu.memory_space<hbm>>
          tpu.enqueue_dma source(%dma_start3A_162 : memref<2000xi32, #tpu.memory_space<hbm>>) target(%arg12 : memref<2000xi32, #tpu.memory_space<vmem>>) target_semaphore(%arg37 : memref<!tpu.dma_semaphore, #tpu.memory_space<semaphore_mem>>)
          %dma_start3A_163 = tpu.memref_slice %arg6[%mul3A_154] : memref<6400000xi32, #tpu.memory_space<hbm>> -> memref<2000xi32, #tpu.memory_space<hbm>>
          %dma_start3A_164 = tpu.memref_slice %arg6[%mul3A_154] : memref<6400000xi32, #tpu.memory_space<hbm>> -> memref<2000xi32, #tpu.memory_space<hbm>>
          tpu.enqueue_dma source(%dma_start3A_164 : memref<2000xi32, #tpu.memory_space<hbm>>) target(%arg13 : memref<2000xi32, #tpu.memory_space<vmem>>) target_semaphore(%arg37 : memref<!tpu.dma_semaphore, #tpu.memory_space<semaphore_mem>>)
        } else {
        }
        %ge3A = arith.constant 3 : i32
        %ge3A_136 = arith.cmpi sge, %scan3A_52, %ge3A : i32
        %convert_element_type3A_137 = arith.extui %ge3A_136 : i1 to i32
        %cond3A_138 = arith.constant 0 : i32
        %cond3A_139 = arith.cmpi ne, %convert_element_type3A_137, %cond3A_138 : i32
        scf.if %cond3A_139 {
          %dma_wait3A_150 = arith.constant 0 : i32
          %dma_wait3A_151 = tpu.memref_slice %arg36[%dma_wait3A_150] : memref<300000xf32, #tpu.memory_space<vmem_shared>> -> memref<300000xf32, #tpu.memory_space<vmem_shared>>
          tpu.wait_indirect_dma semaphore(%arg42 : memref<!tpu.dma_semaphore, #tpu.memory_space<semaphore_mem>>) src(%arg28 : memref<6000xf32, #tpu.memory_space<vmem>>) dst(%dma_wait3A_151 : memref<300000xf32, #tpu.memory_space<vmem_shared>>)
          %dma_wait3A_152 = arith.constant 0 : i32
          %dma_wait3A_153 = tpu.memref_slice %arg36[%dma_wait3A_152] : memref<300000xf32, #tpu.memory_space<vmem_shared>> -> memref<300000xf32, #tpu.memory_space<vmem_shared>>
          tpu.wait_indirect_dma semaphore(%arg42 : memref<!tpu.dma_semaphore, #tpu.memory_space<semaphore_mem>>) src(%arg29 : memref<6000xf32, #tpu.memory_space<vmem>>) dst(%dma_wait3A_153 : memref<300000xf32, #tpu.memory_space<vmem_shared>>)
        } else {
        }
        %scan3A_140 = arith.constant 0 : i32
        %scan3A_141 = arith.constant 0 : i32
        %scan3A_142 = arith.constant 125 : i32
        %scan3A_143 = arith.addi %scan3A_141, %scan3A_142 : i32
        %scan3A_144 = arith.constant 1 : i32
        scf.for %scan3A_150 = %scan3A_141 to %scan3A_143 step %scan3A_144  : i32 {
          %mul3A_151 = arith.constant 16 : i32
          %mul3A_152 = arith.muli %scan3A_150, %mul3A_151 : i32
          %add3A_153 = arith.constant 2000 : i32
          %add3A_154 = arith.addi %mul3A_152, %add3A_153 : i32
          %add3A_155 = arith.constant 4000 : i32
          %add3A_156 = arith.addi %mul3A_152, %add3A_155 : i32
          %get3A = arith.index_cast %mul3A_152 : i32 to index
          %get3A_157 = tpu.vector_load %arg19[%get3A] {strides = array<i32>} : memref<2000xf32, #tpu.memory_space<vmem>>, vector<16xf32>,
          %get3A_158 = arith.index_cast %mul3A_152 : i32 to index
          %get3A_159 = tpu.vector_load %arg20[%get3A_158] {strides = array<i32>} : memref<2000xf32, #tpu.memory_space<vmem>>, vector<16xf32>,
          %get3A_160 = arith.index_cast %mul3A_152 : i32 to index
          %get3A_161 = tpu.vector_load %arg21[%get3A_160] {strides = array<i32>} : memref<2000xf32, #tpu.memory_space<vmem>>, vector<16xf32>,
          %mul3A_162 = arith.mulf %get3A_157, %get3A_157 : vector<16xf32>
          %mul3A_163 = arith.mulf %get3A_159, %get3A_159 : vector<16xf32>
          %add3A_164 = arith.addf %mul3A_162, %mul3A_163 : vector<16xf32>
          %mul3A_165 = arith.mulf %get3A_161, %get3A_161 : vector<16xf32>
          %add3A_166 = arith.addf %add3A_164, %mul3A_165 : vector<16xf32>
          %add3A_167 = arith.constant 9.99999996E-13 : f32
          %add3A_168 = vector.broadcast %add3A_167 : f32 to vector<16xf32>
          %add3A_169 = arith.addf %add3A_166, %add3A_168 : vector<16xf32>
          %bitcast3A = vector.bitcast %add3A_169 : vector<16xf32> to vector<16xi32>
          %shift_right_logical3A = arith.constant 1 : i32
          %shift_right_logical3A_170 = vector.broadcast %shift_right_logical3A : i32 to vector<16xi32>
          %shift_right_logical3A_171 = arith.shrui %bitcast3A, %shift_right_logical3A_170 : vector<16xi32>
          %sub3A = arith.subi %broadcast_in_dim3A_11, %shift_right_logical3A_171 : vector<16xi32>
          %bitcast3A_172 = vector.bitcast %sub3A : vector<16xi32> to vector<16xf32>
          %mul3A_173 = arith.constant 5.000000e-01 : f32
          %mul3A_174 = vector.broadcast %mul3A_173 : f32 to vector<16xf32>
          %mul3A_175 = arith.mulf %add3A_169, %mul3A_174 : vector<16xf32>
          %mul3A_176 = arith.mulf %mul3A_175, %bitcast3A_172 : vector<16xf32>
          %mul3A_177 = arith.mulf %mul3A_176, %bitcast3A_172 : vector<16xf32>
          %sub3A_178 = arith.constant 1.500000e+00 : f32
          %sub3A_179 = vector.broadcast %sub3A_178 : f32 to vector<16xf32>
          %sub3A_180 = arith.subf %sub3A_179, %mul3A_177 : vector<16xf32>
          %mul3A_181 = arith.mulf %bitcast3A_172, %sub3A_180 : vector<16xf32>
          %mul3A_182 = arith.mulf %mul3A_175, %mul3A_181 : vector<16xf32>
          %mul3A_183 = arith.mulf %mul3A_182, %mul3A_181 : vector<16xf32>
          %sub3A_184 = arith.constant 1.500000e+00 : f32
          %sub3A_185 = vector.broadcast %sub3A_184 : f32 to vector<16xf32>
          %sub3A_186 = arith.subf %sub3A_185, %mul3A_183 : vector<16xf32>
          %mul3A_187 = arith.mulf %mul3A_181, %sub3A_186 : vector<16xf32>
          %mul3A_188 = arith.mulf %mul3A_175, %mul3A_187 : vector<16xf32>
          %mul3A_189 = arith.mulf %mul3A_188, %mul3A_187 : vector<16xf32>
          %sub3A_190 = arith.constant 1.500000e+00 : f32
          %sub3A_191 = vector.broadcast %sub3A_190 : f32 to vector<16xf32>
          %sub3A_192 = arith.subf %sub3A_191, %mul3A_189 : vector<16xf32>
          %mul3A_193 = arith.mulf %mul3A_187, %sub3A_192 : vector<16xf32>
          %sub3A_194 = arith.constant 1.000000e+00 : f32
          %sub3A_195 = vector.broadcast %sub3A_194 : f32 to vector<16xf32>
          %sub3A_196 = arith.subf %sub3A_195, %mul3A_193 : vector<16xf32>
          %sub3A_197 = arith.constant 1.000000e+00 : f32
          %sub3A_198 = vector.broadcast %sub3A_197 : f32 to vector<16xf32>
          %sub3A_199 = arith.subf %mul3A_193, %sub3A_198 : vector<16xf32>
          %mul3A_200 = arith.mulf %sub3A_196, %get3A_157 : vector<16xf32>
          %swap3A = arith.index_cast %mul3A_152 : i32 to index
          %swap3A_201 = tpu.vector_load %arg28[%swap3A] {strides = array<i32>} : memref<6000xf32, #tpu.memory_space<vmem>>, vector<16xf32>,
          tpu.vector_store %arg28[%swap3A], %mul3A_200 {strides = array<i32>} : memref<6000xf32, #tpu.memory_space<vmem>>, vector<16xf32>,
          %mul3A_202 = arith.mulf %sub3A_196, %get3A_159 : vector<16xf32>
          %swap3A_203 = arith.index_cast %add3A_154 : i32 to index
          %swap3A_204 = tpu.vector_load %arg28[%swap3A_203] {strides = array<i32>} : memref<6000xf32, #tpu.memory_space<vmem>>, vector<16xf32>,
          tpu.vector_store %arg28[%swap3A_203], %mul3A_202 {strides = array<i32>} : memref<6000xf32, #tpu.memory_space<vmem>>, vector<16xf32>,
          %mul3A_205 = arith.mulf %sub3A_196, %get3A_161 : vector<16xf32>
          %swap3A_206 = arith.index_cast %add3A_156 : i32 to index
          %swap3A_207 = tpu.vector_load %arg28[%swap3A_206] {strides = array<i32>} : memref<6000xf32, #tpu.memory_space<vmem>>, vector<16xf32>,
          tpu.vector_store %arg28[%swap3A_206], %mul3A_205 {strides = array<i32>} : memref<6000xf32, #tpu.memory_space<vmem>>, vector<16xf32>,
          %mul3A_208 = arith.mulf %sub3A_199, %get3A_157 : vector<16xf32>
          %swap3A_209 = arith.index_cast %mul3A_152 : i32 to index
          %swap3A_210 = tpu.vector_load %arg29[%swap3A_209] {strides = array<i32>} : memref<6000xf32, #tpu.memory_space<vmem>>, vector<16xf32>,
          tpu.vector_store %arg29[%swap3A_209], %mul3A_208 {strides = array<i32>} : memref<6000xf32, #tpu.memory_space<vmem>>, vector<16xf32>,
          %mul3A_211 = arith.mulf %sub3A_199, %get3A_159 : vector<16xf32>
          %swap3A_212 = arith.index_cast %add3A_154 : i32 to index
          %swap3A_213 = tpu.vector_load %arg29[%swap3A_212] {strides = array<i32>} : memref<6000xf32, #tpu.memory_space<vmem>>, vector<16xf32>,
          tpu.vector_store %arg29[%swap3A_212], %mul3A_211 {strides = array<i32>} : memref<6000xf32, #tpu.memory_space<vmem>>, vector<16xf32>,
          %mul3A_214 = arith.mulf %sub3A_199, %get3A_161 : vector<16xf32>
          %swap3A_215 = arith.index_cast %add3A_156 : i32 to index
          %swap3A_216 = tpu.vector_load %arg29[%swap3A_215] {strides = array<i32>} : memref<6000xf32, #tpu.memory_space<vmem>>, vector<16xf32>,
          tpu.vector_store %arg29[%swap3A_215], %mul3A_214 {strides = array<i32>} : memref<6000xf32, #tpu.memory_space<vmem>>, vector<16xf32>,
          %get3A_217 = arith.index_cast %mul3A_152 : i32 to index
          %get3A_218 = tpu.vector_load %arg22[%get3A_217] {strides = array<i32>} : memref<2000xi32, #tpu.memory_space<vmem>>, vector<16xi32>,
          %mul3A_219 = arith.constant 3 : i32
          %mul3A_220 = vector.broadcast %mul3A_219 : i32 to vector<16xi32>
          %mul3A_221 = arith.muli %get3A_218, %mul3A_220 : vector<16xi32>
          %get3A_222 = arith.index_cast %mul3A_152 : i32 to index
          %get3A_223 = tpu.vector_load %arg23[%get3A_222] {strides = array<i32>} : memref<2000xi32, #tpu.memory_space<vmem>>, vector<16xi32>,
          %mul3A_224 = arith.constant 3 : i32
          %mul3A_225 = vector.broadcast %mul3A_224 : i32 to vector<16xi32>
          %mul3A_226 = arith.muli %get3A_223, %mul3A_225 : vector<16xi32>
          %swap3A_227 = arith.index_cast %mul3A_152 : i32 to index
          %swap3A_228 = tpu.vector_load %arg34[%swap3A_227] {strides = array<i32>} : memref<6000xi32, #tpu.memory_space<vmem>>, vector<16xi32>,
          tpu.vector_store %arg34[%swap3A_227], %mul3A_221 {strides = array<i32>} : memref<6000xi32, #tpu.memory_space<vmem>>, vector<16xi32>,
          %add3A_229 = arith.constant 1 : i32
          %add3A_230 = vector.broadcast %add3A_229 : i32 to vector<16xi32>
          %add3A_231 = arith.addi %mul3A_221, %add3A_230 : vector<16xi32>
          %swap3A_232 = arith.index_cast %add3A_154 : i32 to index
          %swap3A_233 = tpu.vector_load %arg34[%swap3A_232] {strides = array<i32>} : memref<6000xi32, #tpu.memory_space<vmem>>, vector<16xi32>,
          tpu.vector_store %arg34[%swap3A_232], %add3A_231 {strides = array<i32>} : memref<6000xi32, #tpu.memory_space<vmem>>, vector<16xi32>,
          %add3A_234 = arith.constant 2 : i32
          %add3A_235 = vector.broadcast %add3A_234 : i32 to vector<16xi32>
          %add3A_236 = arith.addi %mul3A_221, %add3A_235 : vector<16xi32>
          %swap3A_237 = arith.index_cast %add3A_156 : i32 to index
          %swap3A_238 = tpu.vector_load %arg34[%swap3A_237] {strides = array<i32>} : memref<6000xi32, #tpu.memory_space<vmem>>, vector<16xi32>,
          tpu.vector_store %arg34[%swap3A_237], %add3A_236 {strides = array<i32>} : memref<6000xi32, #tpu.memory_space<vmem>>, vector<16xi32>,
          %swap3A_239 = arith.index_cast %mul3A_152 : i32 to index
          %swap3A_240 = tpu.vector_load %arg35[%swap3A_239] {strides = array<i32>} : memref<6000xi32, #tpu.memory_space<vmem>>, vector<16xi32>,
          tpu.vector_store %arg35[%swap3A_239], %mul3A_226 {strides = array<i32>} : memref<6000xi32, #tpu.memory_space<vmem>>, vector<16xi32>,
          %add3A_241 = arith.constant 1 : i32
          %add3A_242 = vector.broadcast %add3A_241 : i32 to vector<16xi32>
          %add3A_243 = arith.addi %mul3A_226, %add3A_242 : vector<16xi32>
          %swap3A_244 = arith.index_cast %add3A_154 : i32 to index
          %swap3A_245 = tpu.vector_load %arg35[%swap3A_244] {strides = array<i32>} : memref<6000xi32, #tpu.memory_space<vmem>>, vector<16xi32>,
          tpu.vector_store %arg35[%swap3A_244], %add3A_243 {strides = array<i32>} : memref<6000xi32, #tpu.memory_space<vmem>>, vector<16xi32>,
          %add3A_246 = arith.constant 2 : i32
          %add3A_247 = vector.broadcast %add3A_246 : i32 to vector<16xi32>
          %add3A_248 = arith.addi %mul3A_226, %add3A_247 : vector<16xi32>
          %swap3A_249 = arith.index_cast %add3A_156 : i32 to index
          %swap3A_250 = tpu.vector_load %arg35[%swap3A_249] {strides = array<i32>} : memref<6000xi32, #tpu.memory_space<vmem>>, vector<16xi32>,
          tpu.vector_store %arg35[%swap3A_249], %add3A_248 {strides = array<i32>} : memref<6000xi32, #tpu.memory_space<vmem>>, vector<16xi32>,
        }
        %scan3A_145 = arith.constant 125 : i32
        %dma_start3A_146 = arith.constant 0 : i32
        %dma_start3A_147 = tpu.memref_slice %arg36[%dma_start3A_146] : memref<300000xf32, #tpu.memory_space<vmem_shared>> -> memref<300000xf32, #tpu.memory_space<vmem_shared>>
        tpu.enqueue_indirect_dma source(%arg28 : memref<6000xf32, #tpu.memory_space<vmem>>) target(%dma_start3A_147 : memref<300000xf32, #tpu.memory_space<vmem_shared>>) offsets(%arg34 : memref<6000xi32, #tpu.memory_space<vmem>>) semaphore(%arg42 : memref<!tpu.dma_semaphore, #tpu.memory_space<semaphore_mem>>) {add = true}
        %dma_start3A_148 = arith.constant 0 : i32
        %dma_start3A_149 = tpu.memref_slice %arg36[%dma_start3A_148] : memref<300000xf32, #tpu.memory_space<vmem_shared>> -> memref<300000xf32, #tpu.memory_space<vmem_shared>>
        tpu.enqueue_indirect_dma source(%arg29 : memref<6000xf32, #tpu.memory_space<vmem>>) target(%dma_start3A_149 : memref<300000xf32, #tpu.memory_space<vmem_shared>>) offsets(%arg35 : memref<6000xi32, #tpu.memory_space<vmem>>) semaphore(%arg42 : memref<!tpu.dma_semaphore, #tpu.memory_space<semaphore_mem>>) {add = true}
      } else {
      }
    }
    %scan3A_29 = arith.constant 100 : i32
    %dma_wait3A = arith.constant 0 : i32
    %dma_wait3A_30 = tpu.memref_slice %arg36[%dma_wait3A] : memref<300000xf32, #tpu.memory_space<vmem_shared>> -> memref<300000xf32, #tpu.memory_space<vmem_shared>>
    tpu.wait_indirect_dma semaphore(%arg40 : memref<!tpu.dma_semaphore, #tpu.memory_space<semaphore_mem>>) src(%arg24 : memref<6000xf32, #tpu.memory_space<vmem>>) dst(%dma_wait3A_30 : memref<300000xf32, #tpu.memory_space<vmem_shared>>)
    %dma_wait3A_31 = arith.constant 0 : i32
    %dma_wait3A_32 = tpu.memref_slice %arg36[%dma_wait3A_31] : memref<300000xf32, #tpu.memory_space<vmem_shared>> -> memref<300000xf32, #tpu.memory_space<vmem_shared>>
    tpu.wait_indirect_dma semaphore(%arg40 : memref<!tpu.dma_semaphore, #tpu.memory_space<semaphore_mem>>) src(%arg25 : memref<6000xf32, #tpu.memory_space<vmem>>) dst(%dma_wait3A_32 : memref<300000xf32, #tpu.memory_space<vmem_shared>>)
    %dma_wait3A_33 = arith.constant 0 : i32
    %dma_wait3A_34 = tpu.memref_slice %arg36[%dma_wait3A_33] : memref<300000xf32, #tpu.memory_space<vmem_shared>> -> memref<300000xf32, #tpu.memory_space<vmem_shared>>
    tpu.wait_indirect_dma semaphore(%arg41 : memref<!tpu.dma_semaphore, #tpu.memory_space<semaphore_mem>>) src(%arg26 : memref<6000xf32, #tpu.memory_space<vmem>>) dst(%dma_wait3A_34 : memref<300000xf32, #tpu.memory_space<vmem_shared>>)
    %dma_wait3A_35 = arith.constant 0 : i32
    %dma_wait3A_36 = tpu.memref_slice %arg36[%dma_wait3A_35] : memref<300000xf32, #tpu.memory_space<vmem_shared>> -> memref<300000xf32, #tpu.memory_space<vmem_shared>>
    tpu.wait_indirect_dma semaphore(%arg41 : memref<!tpu.dma_semaphore, #tpu.memory_space<semaphore_mem>>) src(%arg27 : memref<6000xf32, #tpu.memory_space<vmem>>) dst(%dma_wait3A_36 : memref<300000xf32, #tpu.memory_space<vmem_shared>>)
    %dma_wait3A_37 = arith.constant 0 : i32
    %dma_wait3A_38 = tpu.memref_slice %arg36[%dma_wait3A_37] : memref<300000xf32, #tpu.memory_space<vmem_shared>> -> memref<300000xf32, #tpu.memory_space<vmem_shared>>
    tpu.wait_indirect_dma semaphore(%arg42 : memref<!tpu.dma_semaphore, #tpu.memory_space<semaphore_mem>>) src(%arg28 : memref<6000xf32, #tpu.memory_space<vmem>>) dst(%dma_wait3A_38 : memref<300000xf32, #tpu.memory_space<vmem_shared>>)
    %dma_wait3A_39 = arith.constant 0 : i32
    %dma_wait3A_40 = tpu.memref_slice %arg36[%dma_wait3A_39] : memref<300000xf32, #tpu.memory_space<vmem_shared>> -> memref<300000xf32, #tpu.memory_space<vmem_shared>>
    tpu.wait_indirect_dma semaphore(%arg42 : memref<!tpu.dma_semaphore, #tpu.memory_space<semaphore_mem>>) src(%arg29 : memref<6000xf32, #tpu.memory_space<vmem>>) dst(%dma_wait3A_40 : memref<300000xf32, #tpu.memory_space<vmem_shared>>)
    %barrier3A_41 = arith.constant 0 : index
    tpu.barrier barrier_id(%barrier3A_41)
    %lt3A_42 = arith.constant 15 : i32
    %lt3A_43 = arith.cmpi slt, %arg1, %lt3A_42 : i32
    %convert_element_type3A_44 = arith.extui %lt3A_43 : i1 to i32
    %cond3A_45 = arith.constant 0 : i32
    %cond3A_46 = arith.cmpi ne, %convert_element_type3A_44, %cond3A_45 : i32
    scf.if %cond3A_46 {
      "tpu.region"() ({
        %run_scoped3A = tpu.sem_alloc : memref<!tpu.dma_semaphore, #tpu.memory_space<semaphore_mem>>
        %dma_start3A_52 = tpu.memref_slice %arg8[%arg0, %mul3A_2] : memref<2x300000xf32, #tpu.memory_space<hbm>> -> memref<1x18752xf32, #tpu.memory_space<hbm>>
        %dma_start3A_53 = tpu.memref_squeeze %dma_start3A_52 : memref<1x18752xf32, #tpu.memory_space<hbm>> -> memref<18752xf32, #tpu.memory_space<hbm>>
        %dma_start3A_54 = tpu.memref_slice %arg36[%mul3A_2] : memref<300000xf32, #tpu.memory_space<vmem_shared>> -> memref<18752xf32, #tpu.memory_space<vmem_shared>>
        tpu.enqueue_dma source(%dma_start3A_54 : memref<18752xf32, #tpu.memory_space<vmem_shared>>) target(%dma_start3A_53 : memref<18752xf32, #tpu.memory_space<hbm>>) target_semaphore(%run_scoped3A : memref<!tpu.dma_semaphore, #tpu.memory_space<semaphore_mem>>)
        %dma_wait3A_55 = tpu.memref_slice %arg8[%arg0, %mul3A_2] : memref<2x300000xf32, #tpu.memory_space<hbm>> -> memref<1x18752xf32, #tpu.memory_space<hbm>>
        %dma_wait3A_56 = tpu.memref_squeeze %dma_wait3A_55 : memref<1x18752xf32, #tpu.memory_space<hbm>> -> memref<18752xf32, #tpu.memory_space<hbm>>
        %dma_wait3A_57 = tpu.memref_slice %arg36[%mul3A_2] : memref<300000xf32, #tpu.memory_space<vmem_shared>> -> memref<18752xf32, #tpu.memory_space<vmem_shared>>
        tpu.wait_dma2 semaphore(%run_scoped3A : memref<!tpu.dma_semaphore, #tpu.memory_space<semaphore_mem>>) src(%dma_wait3A_57 : memref<18752xf32, #tpu.memory_space<vmem_shared>>) dst(%dma_wait3A_56 : memref<18752xf32, #tpu.memory_space<hbm>>)
        tpu.yield
      }) : () -> ()
    } else {
    }
    %eq3A_47 = arith.constant 15 : i32
    %eq3A_48 = arith.cmpi eq, %arg1, %eq3A_47 : i32
    %convert_element_type3A_49 = arith.extui %eq3A_48 : i1 to i32
    %cond3A_50 = arith.constant 0 : i32
    %cond3A_51 = arith.cmpi ne, %convert_element_type3A_49, %cond3A_50 : i32
    scf.if %cond3A_51 {
      "tpu.region"() ({
        %run_scoped3A = tpu.sem_alloc : memref<!tpu.dma_semaphore, #tpu.memory_space<semaphore_mem>>
        %dma_start3A_52 = arith.constant 281280 : i32
        %dma_start3A_53 = tpu.memref_slice %arg8[%arg0, %dma_start3A_52] : memref<2x300000xf32, #tpu.memory_space<hbm>> -> memref<1x18720xf32, #tpu.memory_space<hbm>>
        %dma_start3A_54 = tpu.memref_squeeze %dma_start3A_53 : memref<1x18720xf32, #tpu.memory_space<hbm>> -> memref<18720xf32, #tpu.memory_space<hbm>>
        %dma_start3A_55 = arith.constant 281280 : i32
        %dma_start3A_56 = tpu.memref_slice %arg36[%dma_start3A_55] : memref<300000xf32, #tpu.memory_space<vmem_shared>> -> memref<18720xf32, #tpu.memory_space<vmem_shared>>
        tpu.enqueue_dma source(%dma_start3A_56 : memref<18720xf32, #tpu.memory_space<vmem_shared>>) target(%dma_start3A_54 : memref<18720xf32, #tpu.memory_space<hbm>>) target_semaphore(%run_scoped3A : memref<!tpu.dma_semaphore, #tpu.memory_space<semaphore_mem>>)
        %dma_wait3A_57 = arith.constant 281280 : i32
        %dma_wait3A_58 = tpu.memref_slice %arg8[%arg0, %dma_wait3A_57] : memref<2x300000xf32, #tpu.memory_space<hbm>> -> memref<1x18720xf32, #tpu.memory_space<hbm>>
        %dma_wait3A_59 = tpu.memref_squeeze %dma_wait3A_58 : memref<1x18720xf32, #tpu.memory_space<hbm>> -> memref<18720xf32, #tpu.memory_space<hbm>>
        %dma_wait3A_60 = arith.constant 281280 : i32
        %dma_wait3A_61 = tpu.memref_slice %arg36[%dma_wait3A_60] : memref<300000xf32, #tpu.memory_space<vmem_shared>> -> memref<18720xf32, #tpu.memory_space<vmem_shared>>
        tpu.wait_dma2 semaphore(%run_scoped3A : memref<!tpu.dma_semaphore, #tpu.memory_space<semaphore_mem>>) src(%dma_wait3A_61 : memref<18720xf32, #tpu.memory_space<vmem_shared>>) dst(%dma_wait3A_59 : memref<18720xf32, #tpu.memory_space<hbm>>)
        tpu.yield
      }) : () -> ()
    } else {
    }
    return
  }
}

module attributes {stable_mosaic.version = 14 : i64} {
  func.func @_combine_body(%arg0: memref<300x1000xf32, #tpu.memory_space<vmem>>, %arg1: memref<300x1000xf32, #tpu.memory_space<vmem>>, %arg2: memref<300x1000xf32, #tpu.memory_space<vmem>>) attributes {dimension_semantics = [], scalar_prefetch = 0 : i64, scratch_operands = 0 : i64, tpu.core_type = #tpu.core_type<tc>} {
    %get3A = arith.constant 0 : index
    %get3A_0 = arith.constant 0 : index
    %get3A_1 = vector.load %arg0[%get3A, %get3A_0] : memref<300x1000xf32, #tpu.memory_space<vmem>>, vector<300x1000xf32>
    %get3A_2 = arith.constant 0 : index
    %get3A_3 = arith.constant 0 : index
    %get3A_4 = vector.load %arg1[%get3A_2, %get3A_3] : memref<300x1000xf32, #tpu.memory_space<vmem>>, vector<300x1000xf32>
    %add3A = arith.addf %get3A_1, %get3A_4 : vector<300x1000xf32>
    %swap3A = arith.constant 0 : index
    %swap3A_5 = arith.constant 0 : index
    %swap3A_6 = vector.load %arg2[%swap3A, %swap3A_5] : memref<300x1000xf32, #tpu.memory_space<vmem>>, vector<300x1000xf32>
    tpu.vector_store %arg2[%swap3A, %swap3A_5], %add3A {strides = array<i32>} : memref<300x1000xf32, #tpu.memory_space<vmem>>, vector<300x1000xf32>,
    return
  }
}

</mosaic_0001>

<sc_bundles>
// kernel: kernel.4.cloned.1.call-start
scs
__scs_entry_jumppad:
0x0: {  	(pc) =	sbr.rel $0x88, $3  }
0x1: {  	(tag) =	ssettag $0x0;
	lr =	simm.s32 $0x1  }
0x2: {  	[smem:$0x3F9F] =	sst lr;
	_ =	strace $0xD0000000  }
0x3: {  	_ = 	snop  }
0x4: {  	_ = 	snop  }
0x5: {  	_ = 	snop  }
0x6: {  	_ = 	snop  }
0x7: {  	_ = 	snop  }
__scs_overlays_trampoline_lowered:
0x8: {  	[smem:$0x3FAE] =	sst s0  }
0x9: {  	[smem:$0x3FAF] =	sst s1  }
0xa: {  	[smem:$0x3FB0] =	sst s2  }
0xb: {  	[smem:$0x3FB1] =	sst s3  }
0xc: {  	[smem:$0x3FB2] =	sst s4  }
0xd: {  	[smem:$0x3FB3] =	sst s5  }
0xe: {  	[smem:$0x3FB4] =	sst s6  }
0xf: {  	[smem:$0x3FB5] =	sst s7  }
0x10: {  	[smem:$0x3FB6] =	sst s8  }
0x11: {  	[smem:$0x3FB7] =	sst s9;
	s0 =	simm.s32 @!p0 $0x0  }
0x12: {  	s1 =	sld [smem:$0x3F9D];
	s0 =	simm.s32 @p0 $0x1  }
0x13: {  	[smem:$0x3FB8] =	sst s0;
	s0 =	simm.s32 @!p1 $0x0  }
0x14: {  	s2 =	sld [smem:$0x3F9C];
	s0 =	simm.s32 @p1 $0x1  }
0x15: {  	[smem:$0x3FB9] =	sst s0;
	s0 =	simm.s32 @!p2 $0x0  }
0x16: {  	s3 =	sld [smem:$0x3FDB];
	s0 =	simm.s32 @p2 $0x1  }
0x17: {  	s4 =	simm.s32 $0x1BF5;
	[smem:$0x3FBB] =	sst s0  }
0x18: {  	s0 =	sld [smem:$0x3F9E];
	_ =	swait.ge [sflag:s4], $0x0  }
0x19: {  	s7 =	sld [smem:$0x3F9F]  }
0x1a: {  	s8 =	sadd.s32 $0xFFFFE003, lr  }
0x1b: {  	s9 =	sadd.s32 $0xFFFFFEF7, lr;
	s5 =	simm.s32 $0xFFFFFFFF;
	p2 =	slt.u32 s8, $0xFFFFF086  }
0x1c: {  	p1 =	slt.u32 s9, $0xF7A;
	s5 =	simm.s32 @!p2 $0x0  }
0x1d: {  	s5 =	simm.s32 @p1 $0x1;
	p0 =	seq.s32 s7, s2  }
0x1e: {  	s7 =	smul.u32 @!p0 $0xF7A, s2;
	p2 =	seq.s32 @!p0 s5, $0x0  }
0x1f: {  	s9 =	smul.u32 $0xF7A, s1;
	s8 =	simm.s32 @!p0 $0x1BF5;
	p2 =	por !p2, p0  }
0x20: {  	[sflag:s8] =	ssyncset.s32 @!p0 $0xFFFFF086;
	s6 =	sadd.s32 @!p0 s3, s7;
	s7 =	simm.s32 @!p0 $0x108  }
0x21: {  	s3 =	sadd.s32 s3, s9;
	s6 =	sadd.s32 @!p0 $0x88, s6;
	s7 =	simm.s32 @p2 $0x1082  }
0x22: {  	[simem:s7], [sflag:s8] =	dma.local @!p0 [hbm:s6], $0xF7A  }
0x23: {  	s9 =	sor.u32 $0xD0000000, s2;
	s6 =	simm.s32 $0x108;
	_ =	swait.ge @!p0 [sflag:s8], $0x0  }
0x24: {  	s3 =	sadd.s32 $0x88, s3;
	s6 =	simm.s32 @!p1 $0x1082;
	[sflag:s4] =	ssyncset.s32 $0xFFFFF086  }
0x25: {  	[simem:s6], [sflag:s4] =	dma.local [hbm:s3], $0xF7A  }
0x26: {  	[smem:$0x3F9F] =	sst s1;
	(tag) =	ssettag s2;
	_ =	strace s9  }
0x27: {  	s1 =	sld [smem:$0x3FAF]  }
0x28: {  	s2 =	sld [smem:$0x3FB0]  }
0x29: {  	s4 =	sld [smem:$0x3FB2]  }
0x2a: {  	p0 =	seq.s32 s5, $0x0;
	s5 =	sld [smem:$0x3FB3]  }
0x2b: {  	s6 =	sld [smem:$0x3FB4]  }
0x2c: {  	s7 =	sld [smem:$0x3FB5]  }
0x2d: {  	s3 =	simm.s32 $0x108;
	s8 =	sld [smem:$0x3FB6]  }
0x2e: {  	s3 =	simm.s32 @!p0 $0x1082;
	s9 =	sld [smem:$0x3FB7]  }
0x2f: {  	lr =	sadd.s32 s0, s3;
	s0 =	sld [smem:$0x3FAE]  }
0x30: {  	s3 =	sld [smem:$0x3FB1]  }
0x31: {  	[smem:$0x3FBA] =	sst s10  }
0x32: {  	s10 =	sld [smem:$0x3FB8];
	_ =	sdelay $0x3  }
0x33: {  	p0 =	seq.s32 s10, $0x1;
	s10 =	sld [smem:$0x3FBA];
	_ =	sdelay $0x3  }
0x34: {  	[smem:$0x3FBA] =	sst s10  }
0x35: {  	s10 =	sld [smem:$0x3FB9];
	_ =	sdelay $0x3  }
0x36: {  	p1 =	seq.s32 s10, $0x1;
	s10 =	sld [smem:$0x3FBA];
	_ =	sdelay $0x3  }
0x37: {  	[smem:$0x3FBA] =	sst s10  }
0x38: {  	s10 =	sld [smem:$0x3FBB]  }
0x39: {  	_ = 	snop;
	(pc) =	sbr.ind lr, $3  }
0x3a: {  	_ = 	snop  }
0x3b: {  	_ = 	snop  }
0x3c: {  	p2 =	seq.s32 s10, $0x1;
	s10 =	sld [smem:$0x3FBA]  }
0x3d: {  	_ =	shalt  }
0x3e: {  	_ =	shalt  }
0x3f: {  	_ =	shalt  }
0x40: {  	_ =	shalt  }
0x41: {  	_ =	shalt  }
0x42: {  	_ =	shalt  }
0x43: {  	_ =	shalt  }
0x44: {  	_ =	shalt  }
0x45: {  	_ =	shalt  }
0x46: {  	_ =	shalt  }
0x47: {  	_ =	shalt  }
0x48: {  	_ =	shalt  }
0x49: {  	_ =	shalt  }
0x4a: {  	_ =	shalt  }
0x4b: {  	_ =	shalt  }
0x4c: {  	_ =	shalt  }
0x4d: {  	_ =	shalt  }
0x4e: {  	_ =	shalt  }
0x4f: {  	_ =	shalt  }
0x50: {  	_ =	shalt  }
0x51: {  	_ =	shalt  }
0x52: {  	_ =	shalt  }
0x53: {  	_ =	shalt  }
0x54: {  	_ =	shalt  }
0x55: {  	_ =	shalt  }
0x56: {  	_ =	shalt  }
0x57: {  	_ =	shalt  }
0x58: {  	_ =	shalt  }
0x59: {  	_ =	shalt  }
0x5a: {  	_ =	shalt  }
0x5b: {  	_ =	shalt  }
0x5c: {  	_ =	shalt  }
0x5d: {  	_ =	shalt  }
0x5e: {  	_ =	shalt  }
0x5f: {  	_ =	shalt  }
0x60: {  	_ =	shalt  }
0x61: {  	_ =	shalt  }
0x62: {  	_ =	shalt  }
0x63: {  	_ =	shalt  }
0x64: {  	_ =	shalt  }
0x65: {  	_ =	shalt  }
0x66: {  	_ =	shalt  }
0x67: {  	_ =	shalt  }
0x68: {  	_ =	shalt  }
0x69: {  	_ =	shalt  }
0x6a: {  	_ =	shalt  }
0x6b: {  	_ =	shalt  }
0x6c: {  	_ =	shalt  }
0x6d: {  	_ =	shalt  }
0x6e: {  	_ =	shalt  }
0x6f: {  	_ =	shalt  }
0x70: {  	_ =	shalt  }
0x71: {  	_ =	shalt  }
0x72: {  	_ =	shalt  }
0x73: {  	_ =	shalt  }
0x74: {  	_ =	shalt  }
0x75: {  	_ =	shalt  }
0x76: {  	_ =	shalt  }
0x77: {  	_ =	shalt  }
0x78: {  	_ =	shalt  }
0x79: {  	_ =	shalt  }
0x7a: {  	_ =	shalt  }
0x7b: {  	_ =	shalt  }
0x7c: {  	_ =	shalt  }
0x7d: {  	_ =	shalt  }
0x7e: {  	_ =	shalt  }
0x7f: {  	_ =	shalt  }
0x80: {  	_ =	shalt  }
0x81: {  	_ =	shalt  }
0x82: {  	_ =	shalt  }
0x83: {  	_ =	shalt  }
0x84: {  	_ =	shalt  }
0x85: {  	_ =	shalt  }
0x86: {  	_ =	shalt  }
0x87: {  	_ =	shalt  }
.Lfunc_end0:
.L_simem_size_0:
called_computation_lowered:
.L_overlay_start_0:
0x88: {  	s2 =	sld [smem:$0x3FD9]  }
0x89: {  	s3 =	sld [smem:$0x3FFE];
	_ =	sdelay $0x1  }
0x8a: {  	s1 =	srdreg.scid  }
0x8b: {  	s0 =	sand.u32 $0x1, s1  }
0x8c: {  	s17 =	sshll.u32 s0, $0xA;
	s2 =	sadd.s32 s3, s2  }
0x8d: {  	s2 =	sadd.s32 s2, s17  }
0x8e: {  	[smem:$0x3FC6] =	sst s2  }
0x8f: {  	_ = 	snop  }
0x90: {  	s2 =	sld [smem:$0x3FD0];
	(tm) =	ssettm $0x1  }
0x91: {  	s18 =	sld [smem:$0x3FFB];
	_ =	sdelay $0x3  }
0x92: {  	_ =	strace s18  }
0x93: {  	s3 =	sld [smem:$0x3FFC];
	_ =	sdelay $0x3  }
0x94: {  	_ =	strace s3  }
0x95: {  	s3 =	sld [smem:$0x3FFD];
	_ =	sdelay $0x3  }
0x96: {  	_ =	strace s3  }
0x97: {  	_ =	strace $0x8FFFFFFF  }
0x98: {  	s19 =	sld [smem:$0x3FDB];
	_ =	sdelay $0x1  }
0x99: {  	s4 =	simm.s32 $_scs_section_size  }
0x9a: {  	s5 =	simm.s32 $_size__tile_overlayer_lowered;
	s6 =	simm.s32 $_tile_overlayer_lowered  }
0x9b: {  	s22 =	simm.s32 $0x1BFF;
	s21 =	sshll.u32 s6, $0x1;
	s3 =	sadd.s32 s4, s19  }
0x9c: {  	s7 =	simm.s32 $0x0;
	s20 =	sshll.u32 s5, $0x1;
	s5 =	sadd.s32 s21, s3  }
0x9d: {  	[timem:s7], [sflag:s22] =	dma.local [hbm:s5], s20  }
0x9e: {  	_ =	swait.ge [sflag:s22], s20  }
0x9f: {  	s4 =	ssub.s32 $0x0, s20;
	[sflag:s22] =	ssyncset.done $0x0  }
0xa0: {  	[sflag:s22] =	ssyncadd.s32 s4;
	_ =	sdelay $0x1  }
0xa1: {  	s23 =	simm.s32 $0x1B8B  }
0xa2: {  	_ =	swait.ge [sflag:s23], $0x1  }
0xa3: {  	[sflag:s23] =	ssyncset.done $0x0  }
0xa4: {  	s25 =	simm.s32 $0x1B8E;
	s24 =	sld [smem:$0x3FFE];
	[sflag:s23] =	ssyncadd.s32 $0xFFFFFFFF  }
0xa5: {  	s26 =	simm.s32 $execute0_lowered;
	[smem:$0x3FD2] =	sst s25  }
0xa6: {  	s5 =	sshll.u32 s26, $0x1;
	_ =	strace $0x80000046;
	[dreg:$0x1] =	wrdreg $0xFFFFFFFF  }
0xa7: {  	s28 =	simm.s32 $_size_execute0_lowered;
	s3 =	sadd.s32 s3, s5;
	[dreg:$0x0] =	wrdreg $0x0  }
0xa8: {  	s5 =	sshll.u32 s28, $0x1;
	[dreg:$0x2] =	wrdreg s3  }
0xa9: {  	[dreg:$0x3] =	wrdreg s5  }
0xaa: {  	[dreg:$0x4] =	wrdreg $0xC0  }
0xab: {  	_ =	task [dreg:s7], $0x5FFFF  }
0xac: {  	[dreg:$0x1] =	wrdreg $0xFFFFFFFF  }
0xad: {  	[dreg:$0x0] =	wrdreg $0x60  }
0xae: {  	[dreg:$0x2] =	wrdreg s24  }
0xaf: {  	[dreg:$0x3] =	wrdreg s2  }
0xb0: {  	[dreg:$0x4] =	wrdreg $0x18E700  }
0xb1: {  	[dreg:$0x5] =	wrdreg $0x9  }
0xb2: {  	_ =	task.clear_ibuf [dreg:s7], $0x6FFFF;
	_ =	strace $0x90000046  }
0xb3: {  	s29 =	simm.s32 $0x9;
	_ =	strace $0x80000048  }
0xb4: {  	_ =	swait.ge [sflag:s29], $0x1  }
0xb5: {  	[sflag:s29] =	ssyncadd.s32 $0xFFFFFFFF  }
0xb6: {  	_ =	strace $0x90000048  }
0xb7: {  	_ =	sfence  }
0xb8: {  	s30 =	sld [smem:$0x0];
	_ =	sdelay $0x2  }
0xb9: {  	s31 =	sshll.u32 s1, $0xD;
	s1 =	sshrl.u32 s1, $0x2  }
0xba: {  	s3 =	sand.u32 $0x4000, s31;
	s1 =	sadd.s32 s1, s30  }
0xbb: {  	s0 =	sor.u32 s3, s0;
	s1 =	sshll.u32 s1, $0x11  }
0xbc: {  	s0 =	sor.u32 s1, s0  }
0xbd: {  	s0 =	sadd.s32 $0x8F2B, s0  }
0xbe: {  	[sflag:s0] =	ssyncadd.remote.s32 $0x1  }
0xbf: {  	_ =	sfence.sel $0xFFFF  }
0xc0: {  	[dreg:$0x0] =	wrdreg $0xFFFFFFFF;
	(pc) =	sbr.abs _section_cstart, $3  }
0xc1: {  	[dreg:$0x1] =	wrdreg $0xFFFFFFFF  }
0xc2: {  	_ =	task.clear_ibuf [dreg:s7], $0x2FFFF;
	_ =	strace $0x9FFFFFFF  }
0xc3: {  	(tm) =	ssettm $0x7FFFFFFF  }
tec
execute0_lowered:
.L_overlay_start_1:
0x0: {  	(tag) =	ssettag $0x1  }
0x1: {  	s1 =	rddreg [dreg:$0x0]  }
0x2: {  	s0 =	rddreg [dreg:$0x1]  }
0x3: {  	s2 =	rddreg [dreg:$0x2];
	s3 =	simm.s32 $0x0  }
0x4: {  	s17 =	srdreg.scid;
	s14 =	stileid.u32;
	s15 =	simm.s32 $0x11940  }
0x5: {  	s16 =	simm.s32 $0x8CA0;
	[smem:$0x7FF] =	sst s3;
	s5 =	sadd.s32 $0x30D800, s1  }
0x6: {  	s28 =	simm.s32 $0x6;
	s6 =	sadd.s32 $0x24A200, s1;
	s7 =	sadd.s32 $0x186C00, s1  }
0x7: {  	s3 =	sand.u32 $0x1, s17;
	s8 =	sadd.s32 $0xC3600, s1;
	s10 =	sadd.s32 $0x3D0E00, s1  }
0x8: {  	s9 =	smul.u32 $0x4940, s14;
	p0 =	seq.s32 s14, $0xF;
	_ =	strace $0x80000047  }
0x9: {  	s4 =	ssub.s32 $0x2, s3;
	s12 =	sshll.u32 s3, $0x4;
	s21 =	smul.u32 $0x493E0, s3  }
0xa: {  	s11 =	sshrl.u32 s4, $0x1;
	s18 =	sor.u32 s14, s12;
	s19 =	sshrl.u32 s9, $0x3  }
0xb: {  	s13 =	sadd.s32 s9, s2;
	s14 =	simm.s32 $0x7530;
	s4 =	ssub.s32 s4, s11  }
0xc: {  	[dreg:$0x4] =	wrdreg s13;
	s12 =	sadd.s32 s0, s19;
	s20 =	smul.u32 $0x61A8, s18  }
0xd: {  	s13 =	sadd.s32 $0x44AC0, s2;
	s0 =	sadd.s32 $0x8958, s0;
	s22 =	smul.u32 $0x64, s18  }
0xe: {  	s9 =	sadd.s32 s9, s21;
	s11 =	simm.s32 $0xBB80;
	[dreg:$0x5] =	wrdreg s12  }
0xf: {  	s18 =	simm.s32 $0x0;
	[dreg:$0x6] =	wrdreg s0;
	s9 =	sshrl.u32 s9, $0x3  }
0x10: {  	s0 =	sshrl.u32 s21, $0x3;
	s31 =	smax.u32 s4, $0x1;
	s4 =	simm.s32 $0x130B0  }
0x11: {  	s12 =	simm.s32 $0x1;
	s23 =	sadd.s32 s5, s20;
	s24 =	sadd.s32 s6, s20  }
0x12: {  	s25 =	sadd.s32 s7, s20;
	s26 =	sadd.s32 s8, s20;
	[dreg:$0xe] =	wrdreg s31  }
0x13: {  	s29 =	sadd.s32 s1, s20;
	s17 =	sor.u32 $0x1, s22;
	[dreg:$0x7] =	wrdreg s23  }
0x14: {  	s30 =	sadd.s32 s10, s9;
	s0 =	sadd.s32 s10, s0;
	[dreg:$0x8] =	wrdreg s24  }
0x15: {  	s20 =	sshrl.u32 @p0 s13, $0x3;
	s22 =	simm.s32 $0x4;
	[dreg:$0x9] =	wrdreg s25  }
.Ltmp0:
0x16: {  	s9 =	simm.s32 $0xA410;
	[dreg:$0xa] =	wrdreg s26;
	(pc) =	sbr.rel .LBB2_1-.Ltmp0, $4  }
0x17: {  	s10 =	simm.s32 $0x14820;
	s13 =	simm.s32 $0x101D0;
	[dreg:$0xb] =	wrdreg s29  }
0x18: {  	[dreg:$0xc] =	wrdreg s30;
	s0 =	sadd.s32 $0x8958, s0;
	s24 =	simm.s32 $0x1770  }
0x19: {  	s26 =	simm.s32 $0x3;
	s23 =	simm.s32 $0x5;
	[dreg:$0xf] =	wrdreg s20  }
0x1a: {  	s25 =	simm.s32 $0x2;
	[dreg:$0xd] =	wrdreg s0;
	s0 =	simm.s32 $0xEA60  }
.LBB2_14:
0x1b: {  	_ =	swait.ge [sflag:s22], $0x1770  }
0x1c: {  	[sflag:s22] =	ssyncset.done $0x0  }
0x1d: {  	[sflag:s22] =	ssyncadd.s32 $0xFFFFE890  }
0x1e: {  	_ =	swait.ge [sflag:s22], $0x1770  }
0x1f: {  	[sflag:s22] =	ssyncset.done $0x0  }
0x20: {  	[sflag:s22] =	ssyncadd.s32 $0xFFFFE890  }
0x21: {  	_ =	swait.ge [sflag:s23], $0x1770  }
0x22: {  	[sflag:s23] =	ssyncset.done $0x0  }
0x23: {  	[sflag:s23] =	ssyncadd.s32 $0xFFFFE890  }
0x24: {  	_ =	swait.ge [sflag:s23], $0x1770  }
0x25: {  	[sflag:s23] =	ssyncset.done $0x0  }
0x26: {  	[sflag:s23] =	ssyncadd.s32 $0xFFFFE890  }
0x27: {  	_ =	swait.ge [sflag:s28], $0x1770  }
0x28: {  	[sflag:s28] =	ssyncset.done $0x0  }
0x29: {  	[sflag:s28] =	ssyncadd.s32 $0xFFFFE890  }
0x2a: {  	_ =	swait.ge [sflag:s28], $0x1770  }
0x2b: {  	[sflag:s28] =	ssyncset.done $0x0  }
0x2c: {  	[sflag:s28] =	ssyncadd.s32 $0xFFFFE890  }
0x2d: {  	[bflag:$0x0] =	sbarrier.arrive $0xFFFF  }
0x2e: {  	s19 =	rddreg [dreg:$0xd]  }
0x2f: {  	s3 =	simm.s32 @p0 $0x1FC7;
	s20 =	rddreg [dreg:$0xf]  }
0x30: {  	[hbm:s19], [sflag:s3] =	dma.local @p0 [spmem:s20], $0x924  }
0x31: {  	s3 =	simm.s32 @p0 $0x7  }
0x32: {  	_ =	swait.ge @p0 [sflag:s3], $0x924  }
0x33: {  	s19 =	rddreg [dreg:$0x10]  }
0x34: {  	[sflag:s3] =	ssyncset.done @p0 $0x0;
	s21 =	rddreg [dreg:$0x11]  }
0x35: {  	[sflag:s3] =	ssyncadd.s32 @p0 $0xFFFFF6DC;
	s3 =	rddreg [dreg:$0xc]  }
0x36: {  	[hbm:s3], [sflag:s19] =	dma.local @!p0 [spmem:s21], $0x928  }
0x37: {  	s3 =	simm.s32 @!p0 $0x7  }
0x38: {  	_ =	swait.ge @!p0 [sflag:s3], $0x928  }
0x39: {  	s18 =	sadd.s32 $0x1, s18;
	s31 =	rddreg [dreg:$0xe]  }
0x3a: {  	p1 =	sne.s32 s18, s31  }
.Ltmp1:
0x3b: {  	_ = 	snop;
	(pc) =	sbr.rel @!p1 .LBB2_15-.Ltmp1, $3  }
0x3c: {  	_ =	sdelay $0x1  }
0x3d: {  	[sflag:s3] =	ssyncset.done @!p0 $0x0  }
0x3e: {  	[sflag:s3] =	ssyncadd.s32 @!p0 $0xFFFFF6D8  }
.LBB2_1:
0x3f: {  	s3 =	simm.s32 @p0 $0x1FC7;
	s19 =	rddreg [dreg:$0x6]  }
0x40: {  	[spmem:s20], [sflag:s3] =	dma.local @p0 [hbm:s19], $0x924  }
0x41: {  	s3 =	simm.s32 @p0 $0x7  }
0x42: {  	s19 =	stileid.u32;
	_ =	swait.ge @p0 [sflag:s3], $0x924  }
0x43: {  	s19 =	sshll.u32 @!p0 s19, $0x6;
	[sflag:s3] =	ssyncset.done @p0 $0x0  }
0x44: {  	s19 =	sor.u32 @!p0 $0x1C07, s19;
	[sflag:s3] =	ssyncadd.s32 @p0 $0xFFFFF6DC;
	s3 =	rddreg [dreg:$0x4]  }
0x45: {  	[dreg:$0x10] =	wrdreg s19  }
0x46: {  	s20 =	sshrl.u32 @!p0 s3, $0x3;
	s3 =	rddreg [dreg:$0x5]  }
0x47: {  	[dreg:$0x11] =	wrdreg s20  }
0x48: {  	[spmem:s20], [sflag:s19] =	dma.local @!p0 [hbm:s3], $0x928  }
0x49: {  	s3 =	simm.s32 @!p0 $0x7  }
0x4a: {  	_ =	swait.ge @!p0 [sflag:s3], $0x928  }
0x4b: {  	[sflag:s3] =	ssyncset.done @!p0 $0x0  }
0x4c: {  	[sflag:s3] =	ssyncadd.s32 @!p0 $0xFFFFF6D8  }
0x4d: {  	[bflag:$0x0] =	sbarrier.arrive $0xFFFF  }
0x4e: {  	s3 =	simm.s32 $0x0;
	s29 =	rddreg [dreg:$0x7]  }
0x4f: {  	[tilespmem:s3], [sflag:$0x1] =	stream.linear.gather [hbm4b:s29+s3], $0x7D0, $0x38;
	[tilespmem:$0x1D7B0] =	vst v63  }
0x50: {  	s31 =	simm.s32 $0x7D0;
	s30 =	rddreg [dreg:$0x8]  }
0x51: {  	[tilespmem:s31], [sflag:$0x1] =	stream.linear.gather [hbm4b:s30+s3], $0x7D0, $0x38;
	[tilespmem:$0x1D7B0] =	vst v63  }
0x52: {  	s21 =	simm.s32 $0xFA0;
	s20 =	rddreg [dreg:$0x9]  }
0x53: {  	[tilespmem:s21], [sflag:$0x1] =	stream.linear.gather [hbm4b:s20+s3], $0x7D0, $0x38;
	[tilespmem:$0x1D7B0] =	vst v63  }
.Ltmp2:
0x54: {  	_ = 	snop;
	(pc) =	sbr.rel .LBB2_2-.Ltmp2, $4  }
0x55: {  	s29 =	rddreg [dreg:$0xa]  }
0x56: {  	[tilespmem:s24], [sflag:$0x1] =	stream.linear.gather [hbm4b:s29+s3], $0x7D0, $0x38;
	[tilespmem:$0x1D7B0] =	vst v63  }
0x57: {  	s30 =	rddreg [dreg:$0xb];
	s31 =	simm.s32 $0x1F40;
	s21 =	simm.s32 $0x0  }
0x58: {  	[tilespmem:s31], [sflag:$0x1] =	stream.linear.gather [hbm4b:s30+s3], $0x7D0, $0x38;
	[tilespmem:$0x1D7B0] =	vst v63  }
.LBB2_13:
0x59: {  	s21 =	sadd.s32 $0x1, s21  }
0x5a: {  	p1 =	sne.s32 s21, $0x64  }
.Ltmp3:
0x5b: {  	_ = 	snop;
	(pc) =	sbr.rel @!p1 .LBB2_14-.Ltmp3, $1  }
0x5c: {  	_ =	sdelay $0x3  }
.LBB2_2:
0x5d: {  	s3 =	smul.u32 $0xAB, s21;
	_ =	sdelay $0x1  }
0x5e: {  	s3 =	sshrl.u32 s3, $0x9  }
0x5f: {  	s3 =	sand.u32 $0x7F, s3  }
0x60: {  	s3 =	smul.u32 $0x3, s3;
	_ =	sdelay $0x1  }
0x61: {  	s3 =	ssub.s32 s21, s3  }
0x62: {  	s3 =	sand.u32 $0xFF, s3  }
0x63: {  	p2 =	seq.s32 s3, $0x2  }
.Ltmp4:
0x64: {  	_ = 	snop;
	(pc) =	sbr.rel @p2 .LBB2_10-.Ltmp4, $2  }
0x65: {  	_ =	sdelay $0x2  }
0x66: {  	p1 =	seq.s32 s21, $0x63  }
0x67: {  	p3 =	seq.s32 s3, $0x1  }
.Ltmp5:
0x68: {  	_ = 	snop;
	(pc) =	sbr.rel @!p3 .LBB2_4-.Ltmp5, $2  }
0x69: {  	_ =	sdelay $0x2  }
0x6a: {  	s3 =	sadd.s32 @!p1 s21, s17;
	p2 =	slt.u32 @!p1 s21, $0x3  }
0x6b: {  	_ =	swait.ge [sflag:s25], $0x7D0  }
0x6c: {  	[sflag:s25] =	ssyncset.done $0x0  }
0x6d: {  	[sflag:s25] =	ssyncadd.s32 $0xFFFFF830  }
0x6e: {  	_ =	swait.ge [sflag:s25], $0x7D0  }
0x6f: {  	[sflag:s25] =	ssyncset.done $0x0  }
0x70: {  	[sflag:s25] =	ssyncadd.s32 $0xFFFFF830  }
0x71: {  	_ =	swait.ge [sflag:s25], $0x7D0  }
0x72: {  	[sflag:s25] =	ssyncset.done $0x0  }
0x73: {  	[sflag:s25] =	ssyncadd.s32 $0xFFFFF830  }
0x74: {  	_ =	swait.ge [sflag:s25], $0x7D0  }
0x75: {  	[sflag:s25] =	ssyncset.done $0x0  }
0x76: {  	[sflag:s25] =	ssyncadd.s32 $0xFFFFF830  }
0x77: {  	s3 =	smul.u32 @!p1 $0xFA, s3;
	_ =	swait.ge [sflag:s25], $0x7D0  }
0x78: {  	s20 =	simm.s32 @!p1 $0x0;
	[sflag:s25] =	ssyncset.done $0x0  }
0x79: {  	s29 =	simm.s32 @!p1 $0x4E20;
	s19 =	sadd.s32 @!p1 s5, s3;
	[sflag:s25] =	ssyncadd.s32 $0xFFFFF830  }
0x7a: {  	[tilespmem:s29], [sflag:$0x3] =	stream.linear.gather @!p1 [hbm4b:s19+s20], $0x7D0, $0x38;
	[tilespmem:$0x1D7B0] =	vst v63  }
0x7b: {  	s19 =	sadd.s32 @!p1 s6, s3;
	s29 =	simm.s32 @!p1 $0x55F0  }
0x7c: {  	[tilespmem:s29], [sflag:$0x3] =	stream.linear.gather @!p1 [hbm4b:s19+s20], $0x7D0, $0x38;
	[tilespmem:$0x1D7B0] =	vst v63  }
0x7d: {  	s19 =	sadd.s32 @!p1 s7, s3;
	s29 =	simm.s32 @!p1 $0x5DC0  }
0x7e: {  	[tilespmem:s29], [sflag:$0x3] =	stream.linear.gather @!p1 [hbm4b:s19+s20], $0x7D0, $0x38;
	[tilespmem:$0x1D7B0] =	vst v63  }
0x7f: {  	s19 =	sadd.s32 @!p1 s8, s3;
	s29 =	simm.s32 @!p1 $0x6590  }
0x80: {  	[tilespmem:s29], [sflag:$0x3] =	stream.linear.gather @!p1 [hbm4b:s19+s20], $0x7D0, $0x38;
	[tilespmem:$0x1D7B0] =	vst v63  }
0x81: {  	s3 =	sadd.s32 @!p1 s1, s3;
	s19 =	simm.s32 @!p1 $0x6D60  }
0x82: {  	[tilespmem:s19], [sflag:$0x3] =	stream.linear.gather @!p1 [hbm4b:s3+s20], $0x7D0, $0x38;
	[tilespmem:$0x1D7B0] =	vst v63  }
0x83: {  	p1 =	por p1, !p2  }
0x84: {  	_ =	swait.ge @p1 [sflag:s23], $0x1770  }
0x85: {  	[sflag:s23] =	ssyncset.done @p1 $0x0  }
0x86: {  	[sflag:s23] =	ssyncadd.s32 @p1 $0xFFFFE890  }
0x87: {  	_ =	swait.ge @p1 [sflag:s23], $0x1770  }
0x88: {  	[sflag:s23] =	ssyncset.done @p1 $0x0  }
0x89: {  	s29 =	simm.s32 $0x0;
	[sflag:s23] =	ssyncadd.s32 @p1 $0xFFFFE890  }
0x8a: {  	v10 =	vld [tilespmem:s29+$0x2710]  }
0x8b: {  	v13 =	vld [tilespmem:s29+$0x2EE0];
	_ =	sdelay $0x1  }
0x8c: {  	v9 =	vld [tilespmem:s29+$0x36B0]  }
0x8d: {  	v0 =	vld [tilespmem:s29+$0x3E80];
	_ =	sdelay $0x1  }
0x8e: {  	v1 =	vmul.f32 v10, v10;
	v2 =	vmul.f32 v13, v13;
	_ =	sdelay $0x1  }
0x8f: {  	v1 =	vadd.f32 v2, v1;
	v2 =	vmul.f32 v9, v9  }
0x90: {  	v0 =	vmul.u32 $0x3, v0  }
0x91: {  	v6 =	vld [tilespmem:s29+$0x4650];
	v1 =	vadd.f32 v2, v1  }
0x92: {  	s19 =	simm.s32 $0x10;
	[tilespmem:s29+$0x130B0] =	vst v0  }
0x93: {  	v4 =	vld [tilespmem:s19+$0x2710];
	v1 =	vadd.f32 $9.999999960e-13, v1  }
0x94: {  	v3 =	vld [tilespmem:s19+$0x2EE0]  }
0x95: {  	v2 =	vld [tilespmem:s19+$0x3E80];
	v7 =	vshrl.u32 v1, $0x1;
	v8 =	vmul.f32 $5.000000000e-01, v1  }
0x96: {  	v6 =	vmul.u32 $0x3, v6;
	v5 =	vld [tilespmem:s19+$0x36B0];
	v1 =	vsub.s32 $0x5F3759DF, v7;
	v7 =	vadd.s32 $0x1, v0  }
0x97: {  	v11 =	vld [tilespmem:s19+$0x4650];
	v0 =	vadd.s32 $0x2, v0;
	v12 =	vmul.f32 v1, v8;
	[tilespmem:s29+$0x13880] =	vst v7  }
0x98: {  	v14 =	vmul.f32 v4, v4;
	v7 =	vadd.s32 $0x1, v6;
	[tilespmem:s29+$0x14050] =	vst v0  }
0x99: {  	[tilespmem:s29+$0x14FF0] =	vst v7;
	v7 =	vmul.f32 v3, v3;
	v0 =	vmul.f32 v1, v12  }
0x9a: {  	v15 =	vmul.u32 $0x3, v2;
	v12 =	vadd.s32 $0x2, v6  }
0x9b: {  	[tilespmem:s29+$0x14820] =	vst v6;
	v6 =	vmul.f32 v5, v5;
	v2 =	vadd.f32 v7, v14;
	v0 =	vsub.f32 $1.500000000e+00, v0;
	_ =	sdelay $0x1  }
0x9c: {  	[tilespmem:s29+$0x157C0] =	vst v12;
	v2 =	vadd.f32 v6, v2;
	v7 =	vmul.f32 v1, v0  }
0x9d: {  	s3 =	simm.s32 $0x20;
	[tilespmem:s19+$0x130B0] =	vst v15  }
0x9e: {  	v12 =	vld [tilespmem:s3+$0x3E80];
	v14 =	vadd.f32 $9.999999960e-13, v2;
	v6 =	vmul.f32 v7, v8  }
0x9f: {  	v11 =	vmul.u32 $0x3, v11;
	v1 =	vld [tilespmem:s3+$0x2710]  }
0xa0: {  	v0 =	vld [tilespmem:s3+$0x2EE0];
	v18 =	vshrl.u32 v14, $0x1;
	v14 =	vmul.f32 $5.000000000e-01, v14;
	v6 =	vmul.f32 v6, v7  }
0xa1: {  	v16 =	vadd.s32 $0x1, v15;
	v15 =	vadd.s32 $0x2, v15;
	v17 =	vld [tilespmem:s3+$0x4650];
	v18 =	vsub.s32 $0x5F3759DF, v18  }
0xa2: {  	v2 =	vld [tilespmem:s3+$0x36B0];
	[tilespmem:s19+$0x14050] =	vst v15;
	v15 =	vmul.f32 v18, v14;
	v6 =	vsub.f32 $1.500000000e+00, v6  }
0xa3: {  	[tilespmem:s19+$0x13880] =	vst v16;
	v16 =	vadd.s32 $0x1, v11  }
0xa4: {  	[tilespmem:s19+$0x14FF0] =	vst v16;
	v15 =	vmul.f32 v18, v15;
	v16 =	vmul.f32 v6, v7  }
0xa5: {  	v19 =	vadd.s32 $0x2, v11;
	v6 =	vmul.f32 v1, v1;
	v7 =	vmul.f32 v0, v0  }
0xa6: {  	[tilespmem:s19+$0x14820] =	vst v11;
	v12 =	vmul.u32 $0x3, v12;
	v11 =	vsub.f32 $1.500000000e+00, v15;
	v8 =	vmul.f32 v16, v8  }
0xa7: {  	[tilespmem:s19+$0x157C0] =	vst v19;
	v6 =	vadd.f32 v7, v6;
	v7 =	vmul.f32 v2, v2  }
0xa8: {  	s20 =	simm.s32 $0x30;
	[tilespmem:s3+$0x130B0] =	vst v12;
	v18 =	vmul.f32 v18, v11;
	v15 =	vmul.f32 v8, v16  }
0xa9: {  	v8 =	vld [tilespmem:s20+$0x2710];
	v7 =	vadd.f32 v7, v6  }
0xaa: {  	v6 =	vld [tilespmem:s20+$0x2EE0];
	v21 =	vmul.f32 v18, v14;
	v11 =	vsub.f32 $1.500000000e+00, v15  }
0xab: {  	v17 =	vmul.u32 $0x3, v17;
	v19 =	vadd.s32 $0x1, v12;
	v15 =	vld [tilespmem:s20+$0x3E80];
	v20 =	vadd.f32 $9.999999960e-13, v7  }
0xac: {  	v12 =	vadd.s32 $0x2, v12;
	v22 =	vld [tilespmem:s20+$0x4650];
	v21 =	vmul.f32 v21, v18;
	v16 =	vmul.f32 v11, v16  }
0xad: {  	v7 =	vld [tilespmem:s20+$0x36B0];
	[tilespmem:s3+$0x13880] =	vst v19;
	v23 =	vshrl.u32 v20, $0x1;
	v11 =	vmul.f32 $5.000000000e-01, v20;
	v20 =	vadd.s32 $0x1, v17  }
0xae: {  	v19 =	vsub.s32 $0x5F3759DF, v23;
	[tilespmem:s3+$0x14FF0] =	vst v20;
	v20 =	vmul.f32 v8, v8;
	v21 =	vsub.f32 $1.500000000e+00, v21  }
0xaf: {  	[tilespmem:s3+$0x14050] =	vst v12;
	v23 =	vadd.f32 $-1.000000000e+00, v16;
	v12 =	vmul.f32 v19, v11;
	v16 =	vsub.f32 $1.000000000e+00, v16  }
0xb0: {  	v25 =	vmul.f32 v6, v6;
	v26 =	vmul.u32 $0x3, v15;
	v15 =	vmul.f32 v21, v18  }
0xb1: {  	v24 =	vadd.s32 $0x2, v17;
	[tilespmem:s3+$0x14820] =	vst v17;
	v17 =	vmul.f32 v16, v10;
	v12 =	vmul.f32 v19, v12  }
0xb2: {  	[tilespmem:s3+$0x157C0] =	vst v24;
	v18 =	vadd.f32 v25, v20;
	v20 =	vmul.f32 v7, v7;
	v62 =	vmul.f32 v23, v9  }
0xb3: {  	v63 =	vmul.f32 v16, v13;
	v21 =	vmul.f32 v15, v14;
	[tilespmem:s29+$0xA410] =	vst v17;
	v17 =	vsub.f32 $1.500000000e+00, v12  }
0xb4: {  	v18 =	vadd.f32 v20, v18;
	[tilespmem:s29+$0xCB20] =	vst v62;
	v12 =	vmul.u32 $0x3, v22;
	v22 =	vmul.f32 v16, v9  }
0xb5: {  	s30 =	simm.s32 $0x40;
	v16 =	vadd.s32 $0x1, v26;
	[tilespmem:s20+$0x130B0] =	vst v26;
	v14 =	vmul.f32 v19, v17;
	v19 =	vmul.f32 v21, v15  }
0xb6: {  	v20 =	vadd.f32 $9.999999960e-13, v18;
	v9 =	vld [tilespmem:s30+$0x2710];
	[tilespmem:s29+$0xABE0] =	vst v63;
	v21 =	vmul.f32 v23, v10;
	v17 =	vmul.f32 v23, v13  }
0xb7: {  	s31 =	simm.s32 $0x140;
	v13 =	vadd.s32 $0x2, v26;
	v10 =	vld [tilespmem:s30+$0x2EE0];
	[tilespmem:s29+$0xB3B0] =	vst v22;
	v18 =	vmul.f32 v14, v11;
	v19 =	vsub.f32 $1.500000000e+00, v19  }
.LBB2_8:
0xb8: {  	p1 =	sne.s32 s31, $0x1F00;
	v22 =	vld [tilespmem:s30+$0x3E80];
	v23 =	vshrl.u32 v20, $0x1;
	v20 =	vmul.f32 $5.000000000e-01, v20;
	v24 =	vadd.s32 $0x1, v12;
	[tilespmem:s29+$0xBB80] =	vst v21;
	v25 =	vmovc v1;
	v1 =	vmovc v8  }
0xb9: {  	v26 =	vld [tilespmem:s30+$0x36B0];
	v21 =	vsub.s32 $0x5F3759DF, v23;
	v28 =	vmul.f32 v18, v14;
	v15 =	vmul.f32 v19, v15;
	[tilespmem:s29+$0xC350] =	vst v17;
	v17 =	vmovc v3;
	s29 =	smov.u32 s19;
	s19 =	smov.u32 s3;
	s3 =	smov.u32 s20  }
0xba: {  	v3 =	vmovc v0;
	v0 =	vmov v6;
	s20 =	smov.u32 s30;
	v18 =	vld [tilespmem:s30+$0x4650];
	v19 =	vmul.f32 v21, v20;
	[tilespmem:s3+$0x13880] =	vst v16;
	v16 =	vadd.s32 $0x2, v12  }
0xbb: {  	v23 =	vmul.f32 v9, v9;
	[tilespmem:s3+$0x14050] =	vst v13;
	v13 =	vsub.f32 $1.500000000e+00, v28;
	v27 =	vadd.f32 $-1.000000000e+00, v15;
	v8 =	vmovc v9  }
0xbc: {  	v9 =	vmul.f32 v10, v10;
	v19 =	vmul.f32 v21, v19;
	[tilespmem:s3+$0x14FF0] =	vst v24;
	v24 =	vsub.f32 $1.000000000e+00, v15;
	v6 =	vmovc v10  }
0xbd: {  	v22 =	vmul.u32 $0x3, v22;
	[tilespmem:s3+$0x157C0] =	vst v16;
	v15 =	vmul.f32 v13, v14;
	v10 =	vmul.f32 v27, v5  }
0xbe: {  	v9 =	vadd.f32 v9, v23;
	v13 =	vmul.f32 v26, v26;
	[tilespmem:s3+$0x14820] =	vst v12;
	v14 =	vmul.f32 v24, v4  }
.Ltmp6:
0xbf: {  	v12 =	vmul.u32 $0x3, v18;
	v18 =	vsub.f32 $1.500000000e+00, v19;
	v19 =	vmul.f32 v15, v11;
	[tilespmem:s29+$0xCB20] =	vst v10;
	v11 =	vmovc v20;
	(pc) =	sbr.rel @p1 .LBB2_8-.Ltmp6, $4  }
0xc0: {  	v23 =	vmul.f32 v24, v5;
	v10 =	vadd.f32 v13, v9;
	[tilespmem:s29+$0xA410] =	vst v14;
	v13 =	vmul.f32 v24, v17  }
0xc1: {  	s30 =	sshra.s32 s31, $0x2;
	v5 =	vmovc v2;
	v16 =	vadd.s32 $0x1, v22;
	[tilespmem:s20+$0x130B0] =	vst v22;
	v14 =	vmul.f32 v21, v18;
	v19 =	vmul.f32 v19, v15  }
0xc2: {  	v2 =	vmovc v7;
	v17 =	vmul.f32 v27, v17;
	v21 =	vmul.f32 v27, v4;
	v9 =	vld [tilespmem:s30+$0x2710];
	v20 =	vadd.f32 $9.999999960e-13, v10;
	[tilespmem:s29+$0xABE0] =	vst v13  }
0xc3: {  	s31 =	sadd.s32 $0x40, s31;
	v7 =	vmovc v26;
	v4 =	vmovc v25;
	v13 =	vadd.s32 $0x2, v22;
	v10 =	vld [tilespmem:s30+$0x2EE0];
	v18 =	vmul.f32 v14, v11;
	v19 =	vsub.f32 $1.500000000e+00, v19;
	[tilespmem:s29+$0xB3B0] =	vst v23  }
0xc4: {  	v22 =	vld [tilespmem:s30+$0x3E80];
	[tilespmem:s29+$0xBB80] =	vst v21  }
0xc5: {  	v21 =	vld [tilespmem:s30+$0x36B0];
	_ =	sdelay $0x2  }
0xc6: {  	v23 =	vmul.f32 v9, v9;
	v24 =	vmul.f32 v10, v10  }
0xc7: {  	v25 =	vshrl.u32 v20, $0x1  }
0xc8: {  	v51 =	vmul.f32 $5.000000000e-01, v20;
	v23 =	vadd.f32 v24, v23;
	v52 =	vmul.f32 v21, v21  }
0xc9: {  	v25 =	vsub.s32 $0x5F3759DF, v25  }
0xca: {  	v26 =	vmul.f32 v25, v51;
	v23 =	vadd.f32 v52, v23;
	_ =	sdelay $0x1  }
0xcb: {  	v53 =	vmul.f32 v25, v26;
	v23 =	vadd.f32 $9.999999960e-13, v23  }
0xcc: {  	v54 =	vadd.s32 $0x1, v12;
	v18 =	vmul.f32 v18, v14;
	v15 =	vmul.f32 v19, v15  }
0xcd: {  	[tilespmem:s29+$0xC350] =	vst v17;
	v55 =	vsub.f32 $1.500000000e+00, v53;
	v56 =	vshrl.u32 v23, $0x1;
	v23 =	vmul.f32 $5.000000000e-01, v23  }
0xce: {  	v17 =	vld [tilespmem:s30+$0x4650];
	[tilespmem:s20+$0x13880] =	vst v16;
	v57 =	vsub.f32 $1.500000000e+00, v18;
	v58 =	vadd.f32 $-1.000000000e+00, v15;
	v24 =	vsub.s32 $0x5F3759DF, v56  }
0xcf: {  	v59 =	vadd.s32 $0x2, v12;
	[tilespmem:s20+$0x14050] =	vst v13;
	v19 =	vmul.f32 v25, v55;
	v60 =	vmul.f32 v24, v23  }
0xd0: {  	[tilespmem:s20+$0x14FF0] =	vst v54;
	v15 =	vsub.f32 $1.000000000e+00, v15;
	v61 =	vmul.f32 v57, v14;
	v62 =	vmul.f32 v58, v5  }
0xd1: {  	[tilespmem:s20+$0x157C0] =	vst v59;
	v63 =	vmul.f32 v19, v51;
	v25 =	vmul.f32 v24, v60  }
0xd2: {  	[tilespmem:s20+$0x14820] =	vst v12;
	v27 =	vmul.f32 v15, v4;
	v11 =	vmul.f32 v61, v11  }
0xd3: {  	v22 =	vmul.u32 $0x3, v22;
	[tilespmem:s19+$0xCB20] =	vst v62;
	v13 =	vmul.f32 v63, v19;
	v28 =	vsub.f32 $1.500000000e+00, v25  }
0xd4: {  	v29 =	vmul.f32 v15, v3;
	[tilespmem:s19+$0xA410] =	vst v27;
	v11 =	vmul.f32 v11, v61  }
0xd5: {  	v30 =	vmul.f32 v15, v5;
	[tilespmem:s30+$0x130B0] =	vst v22;
	v13 =	vsub.f32 $1.500000000e+00, v13;
	v31 =	vmul.f32 v24, v28  }
0xd6: {  	v32 =	vmul.f32 v58, v4;
	v33 =	vmul.f32 v58, v3;
	[tilespmem:s19+$0xABE0] =	vst v29;
	v11 =	vsub.f32 $1.500000000e+00, v11  }
0xd7: {  	[tilespmem:s19+$0xB3B0] =	vst v30;
	v34 =	vmul.f32 v13, v19;
	v35 =	vmul.f32 v31, v23  }
0xd8: {  	v36 =	vmul.u32 $0x3, v17;
	[tilespmem:s19+$0xBB80] =	vst v32;
	v37 =	vmul.f32 v11, v61  }
0xd9: {  	v38 =	vadd.s32 $0x1, v22;
	[tilespmem:s19+$0xC350] =	vst v33;
	v39 =	vmul.f32 v34, v51;
	v12 =	vmul.f32 v35, v31  }
0xda: {  	v40 =	vadd.s32 $0x2, v22;
	v41 =	vadd.s32 $0x1, v36;
	[tilespmem:s30+$0x13880] =	vst v38  }
0xdb: {  	[tilespmem:s30+$0x14050] =	vst v40;
	v42 =	vadd.f32 $-1.000000000e+00, v37;
	v3 =	vmul.f32 v39, v34;
	v12 =	vsub.f32 $1.500000000e+00, v12  }
0xdc: {  	v43 =	vadd.s32 $0x2, v36;
	[tilespmem:s30+$0x14FF0] =	vst v41;
	v4 =	vsub.f32 $1.000000000e+00, v37  }
0xdd: {  	[tilespmem:s30+$0x157C0] =	vst v43;
	v44 =	vmul.f32 v42, v2;
	v3 =	vsub.f32 $1.500000000e+00, v3;
	v12 =	vmul.f32 v12, v31  }
0xde: {  	[tilespmem:s30+$0x14820] =	vst v36;
	v45 =	vmul.f32 v4, v1;
	v46 =	vmul.f32 v4, v0  }
0xdf: {  	[tilespmem:s3+$0xCB20] =	vst v44;
	v3 =	vmul.f32 v3, v34;
	v47 =	vmul.f32 v12, v23  }
0xe0: {  	v48 =	vmul.f32 v4, v2;
	[tilespmem:s3+$0xA410] =	vst v45  }
0xe1: {  	v49 =	vmul.f32 v42, v1;
	[tilespmem:s3+$0xABE0] =	vst v46;
	v50 =	vadd.f32 $-1.000000000e+00, v3;
	v5 =	vmul.f32 v47, v12  }
0xe2: {  	v51 =	vmul.f32 v42, v0;
	[tilespmem:s3+$0xB3B0] =	vst v48;
	v52 =	vsub.f32 $1.000000000e+00, v3  }
0xe3: {  	[tilespmem:s3+$0xBB80] =	vst v49;
	v53 =	vmul.f32 v50, v7;
	v54 =	vsub.f32 $1.500000000e+00, v5  }
0xe4: {  	[tilespmem:s3+$0xC350] =	vst v51;
	v55 =	vmul.f32 v52, v8  }
0xe5: {  	v56 =	vmul.f32 v52, v6;
	[tilespmem:s20+$0xCB20] =	vst v53;
	v3 =	vmul.f32 v54, v12  }
0xe6: {  	v57 =	vmul.f32 v52, v7;
	[tilespmem:s20+$0xA410] =	vst v55  }
0xe7: {  	v58 =	vmul.f32 v50, v8;
	[tilespmem:s20+$0xABE0] =	vst v56;
	v59 =	vadd.f32 $-1.000000000e+00, v3  }
0xe8: {  	v4 =	vmul.f32 v50, v6;
	[tilespmem:s20+$0xB3B0] =	vst v57;
	v60 =	vsub.f32 $1.000000000e+00, v3  }
0xe9: {  	[tilespmem:s20+$0xBB80] =	vst v58;
	v61 =	vmul.f32 v59, v21  }
0xea: {  	[tilespmem:s20+$0xC350] =	vst v4;
	v3 =	vmul.f32 v60, v9  }
0xeb: {  	v62 =	vmul.f32 v60, v10;
	[tilespmem:s30+$0xCB20] =	vst v61  }
0xec: {  	v0 =	vmul.f32 v60, v21;
	[tilespmem:s30+$0xA410] =	vst v3  }
0xed: {  	v63 =	vmul.f32 v59, v9;
	[tilespmem:s30+$0xABE0] =	vst v62  }
0xee: {  	v2 =	vmul.f32 v59, v10;
	[tilespmem:s30+$0xB3B0] =	vst v0  }
.Ltmp7:
0xef: {  	[tilespmem:s30+$0xBB80] =	vst v63;
	(pc) =	sbr.rel .LBB2_13-.Ltmp7, $4  }
0xf0: {  	[tilespmem:s30+$0xC350] =	vst v2  }
0xf1: {  	[spmem:s2] =	stream.indirect.scatter.add.f32 [tilespmem:s9], [sflag:$0x5], $0x1, s4, s24, $0xb8;
	[tilespmem:$0x1D7B0] =	vst v63  }
0xf2: {  	_ = 	snop  }
0xf3: {  	[spmem:s2] =	stream.indirect.scatter.add.f32 [tilespmem:s11], [sflag:$0x5], $0x1, s10, s24, $0xb8;
	[tilespmem:$0x1D7B0] =	vst v63  }
.LBB2_10:
0xf4: {  	_ =	swait.ge [sflag:s26], $0x7D0  }
0xf5: {  	[sflag:s26] =	ssyncset.done $0x0  }
0xf6: {  	[sflag:s26] =	ssyncadd.s32 $0xFFFFF830  }
0xf7: {  	_ =	swait.ge [sflag:s26], $0x7D0  }
0xf8: {  	[sflag:s26] =	ssyncset.done $0x0  }
0xf9: {  	[sflag:s26] =	ssyncadd.s32 $0xFFFFF830  }
0xfa: {  	_ =	swait.ge [sflag:s26], $0x7D0  }
0xfb: {  	[sflag:s26] =	ssyncset.done $0x0  }
0xfc: {  	[sflag:s26] =	ssyncadd.s32 $0xFFFFF830  }
0xfd: {  	_ =	swait.ge [sflag:s26], $0x7D0  }
0xfe: {  	[sflag:s26] =	ssyncset.done $0x0  }
0xff: {  	s3 =	sadd.s32 @!p1 s21, s17;
	[sflag:s26] =	ssyncadd.s32 $0xFFFFF830  }
0x100: {  	s3 =	smul.u32 @!p1 $0xFA, s3;
	_ =	swait.ge [sflag:s26], $0x7D0  }
0x101: {  	[sflag:s26] =	ssyncset.done $0x0  }
0x102: {  	s20 =	simm.s32 @!p1 $0x0;
	s19 =	sadd.s32 @!p1 s5, s3;
	[sflag:s26] =	ssyncadd.s32 $0xFFFFF830  }
0x103: {  	[tilespmem:s20], [sflag:$0x1] =	stream.linear.gather @!p1 [hbm4b:s19+s20], $0x7D0, $0x38;
	[tilespmem:$0x1D7B0] =	vst v63  }
0x104: {  	s29 =	simm.s32 @!p1 $0x7D0;
	s19 =	sadd.s32 @!p1 s6, s3  }
0x105: {  	[tilespmem:s29], [sflag:$0x1] =	stream.linear.gather @!p1 [hbm4b:s19+s20], $0x7D0, $0x38;
	[tilespmem:$0x1D7B0] =	vst v63  }
0x106: {  	s19 =	sadd.s32 @!p1 s7, s3;
	s29 =	simm.s32 @!p1 $0xFA0  }
0x107: {  	[tilespmem:s29], [sflag:$0x1] =	stream.linear.gather @!p1 [hbm4b:s19+s20], $0x7D0, $0x38;
	[tilespmem:$0x1D7B0] =	vst v63  }
0x108: {  	s19 =	sadd.s32 @!p1 s8, s3;
	s29 =	simm.s32 @!p1 $0x1770  }
0x109: {  	[tilespmem:s29], [sflag:$0x1] =	stream.linear.gather @!p1 [hbm4b:s19+s20], $0x7D0, $0x38;
	[tilespmem:$0x1D7B0] =	vst v63  }
0x10a: {  	p2 =	slt.u32 @!p1 s21, $0x3;
	s3 =	sadd.s32 @!p1 s1, s3;
	s19 =	simm.s32 @!p1 $0x1F40  }
0x10b: {  	[tilespmem:s19], [sflag:$0x1] =	stream.linear.gather @!p1 [hbm4b:s3+s20], $0x7D0, $0x38;
	[tilespmem:$0x1D7B0] =	vst v63  }
0x10c: {  	p1 =	por p1, !p2  }
0x10d: {  	_ =	swait.ge @p1 [sflag:s28], $0x1770  }
0x10e: {  	[sflag:s28] =	ssyncset.done @p1 $0x0  }
0x10f: {  	[sflag:s28] =	ssyncadd.s32 @p1 $0xFFFFE890  }
0x110: {  	_ =	swait.ge @p1 [sflag:s28], $0x1770  }
0x111: {  	[sflag:s28] =	ssyncset.done @p1 $0x0  }
0x112: {  	s29 =	simm.s32 $0x0;
	[sflag:s28] =	ssyncadd.s32 @p1 $0xFFFFE890  }
0x113: {  	v10 =	vld [tilespmem:s29+$0x4E20]  }
0x114: {  	v13 =	vld [tilespmem:s29+$0x55F0];
	_ =	sdelay $0x1  }
0x115: {  	v9 =	vld [tilespmem:s29+$0x5DC0]  }
0x116: {  	v0 =	vld [tilespmem:s29+$0x6590];
	_ =	sdelay $0x1  }
0x117: {  	v1 =	vmul.f32 v10, v10;
	v2 =	vmul.f32 v13, v13;
	_ =	sdelay $0x1  }
0x118: {  	v1 =	vadd.f32 v2, v1;
	v2 =	vmul.f32 v9, v9  }
0x119: {  	v0 =	vmul.u32 $0x3, v0  }
0x11a: {  	v6 =	vld [tilespmem:s29+$0x6D60];
	v1 =	vadd.f32 v2, v1  }
0x11b: {  	s19 =	simm.s32 $0x10;
	[tilespmem:s29+$0x15F90] =	vst v0  }
0x11c: {  	v4 =	vld [tilespmem:s19+$0x4E20];
	v1 =	vadd.f32 $9.999999960e-13, v1  }
0x11d: {  	v3 =	vld [tilespmem:s19+$0x55F0]  }
0x11e: {  	v2 =	vld [tilespmem:s19+$0x6590];
	v7 =	vshrl.u32 v1, $0x1;
	v8 =	vmul.f32 $5.000000000e-01, v1  }
0x11f: {  	v6 =	vmul.u32 $0x3, v6;
	v5 =	vld [tilespmem:s19+$0x5DC0];
	v1 =	vsub.s32 $0x5F3759DF, v7;
	v7 =	vadd.s32 $0x1, v0  }
0x120: {  	v11 =	vld [tilespmem:s19+$0x6D60];
	v0 =	vadd.s32 $0x2, v0;
	v12 =	vmul.f32 v1, v8;
	[tilespmem:s29+$0x16760] =	vst v7  }
0x121: {  	v14 =	vmul.f32 v4, v4;
	v7 =	vadd.s32 $0x1, v6;
	[tilespmem:s29+$0x16F30] =	vst v0  }
0x122: {  	[tilespmem:s29+$0x17ED0] =	vst v7;
	v7 =	vmul.f32 v3, v3;
	v0 =	vmul.f32 v1, v12  }
0x123: {  	v15 =	vmul.u32 $0x3, v2;
	v12 =	vadd.s32 $0x2, v6  }
0x124: {  	[tilespmem:s29+$0x17700] =	vst v6;
	v6 =	vmul.f32 v5, v5;
	v2 =	vadd.f32 v7, v14;
	v0 =	vsub.f32 $1.500000000e+00, v0;
	_ =	sdelay $0x1  }
0x125: {  	[tilespmem:s29+$0x186A0] =	vst v12;
	v2 =	vadd.f32 v6, v2;
	v7 =	vmul.f32 v1, v0  }
0x126: {  	s3 =	simm.s32 $0x20;
	[tilespmem:s19+$0x15F90] =	vst v15  }
0x127: {  	v12 =	vld [tilespmem:s3+$0x6590];
	v14 =	vadd.f32 $9.999999960e-13, v2;
	v6 =	vmul.f32 v7, v8  }
0x128: {  	v11 =	vmul.u32 $0x3, v11;
	v1 =	vld [tilespmem:s3+$0x4E20]  }
0x129: {  	v0 =	vld [tilespmem:s3+$0x55F0];
	v18 =	vshrl.u32 v14, $0x1;
	v14 =	vmul.f32 $5.000000000e-01, v14;
	v6 =	vmul.f32 v6, v7  }
0x12a: {  	v16 =	vadd.s32 $0x1, v15;
	v15 =	vadd.s32 $0x2, v15;
	v17 =	vld [tilespmem:s3+$0x6D60];
	v18 =	vsub.s32 $0x5F3759DF, v18  }
0x12b: {  	v2 =	vld [tilespmem:s3+$0x5DC0];
	[tilespmem:s19+$0x16F30] =	vst v15;
	v15 =	vmul.f32 v18, v14;
	v6 =	vsub.f32 $1.500000000e+00, v6  }
0x12c: {  	[tilespmem:s19+$0x16760] =	vst v16;
	v16 =	vadd.s32 $0x1, v11  }
0x12d: {  	[tilespmem:s19+$0x17ED0] =	vst v16;
	v15 =	vmul.f32 v18, v15;
	v16 =	vmul.f32 v6, v7  }
0x12e: {  	v19 =	vadd.s32 $0x2, v11;
	v6 =	vmul.f32 v1, v1;
	v7 =	vmul.f32 v0, v0  }
0x12f: {  	[tilespmem:s19+$0x17700] =	vst v11;
	v12 =	vmul.u32 $0x3, v12;
	v11 =	vsub.f32 $1.500000000e+00, v15;
	v8 =	vmul.f32 v16, v8  }
0x130: {  	[tilespmem:s19+$0x186A0] =	vst v19;
	v6 =	vadd.f32 v7, v6;
	v7 =	vmul.f32 v2, v2  }
0x131: {  	s20 =	simm.s32 $0x30;
	[tilespmem:s3+$0x15F90] =	vst v12;
	v18 =	vmul.f32 v18, v11;
	v15 =	vmul.f32 v8, v16  }
0x132: {  	v8 =	vld [tilespmem:s20+$0x4E20];
	v7 =	vadd.f32 v7, v6  }
0x133: {  	v6 =	vld [tilespmem:s20+$0x55F0];
	v21 =	vmul.f32 v18, v14;
	v11 =	vsub.f32 $1.500000000e+00, v15  }
0x134: {  	v17 =	vmul.u32 $0x3, v17;
	v19 =	vadd.s32 $0x1, v12;
	v15 =	vld [tilespmem:s20+$0x6590];
	v20 =	vadd.f32 $9.999999960e-13, v7  }
0x135: {  	v12 =	vadd.s32 $0x2, v12;
	v22 =	vld [tilespmem:s20+$0x6D60];
	v21 =	vmul.f32 v21, v18;
	v16 =	vmul.f32 v11, v16  }
0x136: {  	v7 =	vld [tilespmem:s20+$0x5DC0];
	[tilespmem:s3+$0x16760] =	vst v19;
	v23 =	vshrl.u32 v20, $0x1;
	v11 =	vmul.f32 $5.000000000e-01, v20;
	v20 =	vadd.s32 $0x1, v17  }
0x137: {  	v19 =	vsub.s32 $0x5F3759DF, v23;
	[tilespmem:s3+$0x17ED0] =	vst v20;
	v20 =	vmul.f32 v8, v8;
	v21 =	vsub.f32 $1.500000000e+00, v21  }
0x138: {  	[tilespmem:s3+$0x16F30] =	vst v12;
	v23 =	vadd.f32 $-1.000000000e+00, v16;
	v12 =	vmul.f32 v19, v11;
	v16 =	vsub.f32 $1.000000000e+00, v16  }
0x139: {  	v25 =	vmul.f32 v6, v6;
	v26 =	vmul.u32 $0x3, v15;
	v15 =	vmul.f32 v21, v18  }
0x13a: {  	v24 =	vadd.s32 $0x2, v17;
	[tilespmem:s3+$0x17700] =	vst v17;
	v17 =	vmul.f32 v16, v10;
	v12 =	vmul.f32 v19, v12  }
0x13b: {  	[tilespmem:s3+$0x186A0] =	vst v24;
	v18 =	vadd.f32 v25, v20;
	v20 =	vmul.f32 v7, v7;
	v62 =	vmul.f32 v23, v9  }
0x13c: {  	v63 =	vmul.f32 v16, v13;
	v21 =	vmul.f32 v15, v14;
	[tilespmem:s29+$0xD2F0] =	vst v17;
	v17 =	vsub.f32 $1.500000000e+00, v12  }
0x13d: {  	v18 =	vadd.f32 v20, v18;
	[tilespmem:s29+$0xFA00] =	vst v62;
	v12 =	vmul.u32 $0x3, v22;
	v22 =	vmul.f32 v16, v9  }
0x13e: {  	s30 =	simm.s32 $0x40;
	v16 =	vadd.s32 $0x1, v26;
	[tilespmem:s20+$0x15F90] =	vst v26;
	v14 =	vmul.f32 v19, v17;
	v19 =	vmul.f32 v21, v15  }
0x13f: {  	v20 =	vadd.f32 $9.999999960e-13, v18;
	v9 =	vld [tilespmem:s30+$0x4E20];
	[tilespmem:s29+$0xDAC0] =	vst v63;
	v21 =	vmul.f32 v23, v10;
	v17 =	vmul.f32 v23, v13  }
0x140: {  	s31 =	simm.s32 $0x140;
	v13 =	vadd.s32 $0x2, v26;
	v10 =	vld [tilespmem:s30+$0x55F0];
	[tilespmem:s29+$0xE290] =	vst v22;
	v18 =	vmul.f32 v14, v11;
	v19 =	vsub.f32 $1.500000000e+00, v19  }
.LBB2_11:
0x141: {  	p1 =	sne.s32 s31, $0x1F00;
	v22 =	vld [tilespmem:s30+$0x6590];
	v23 =	vshrl.u32 v20, $0x1;
	v20 =	vmul.f32 $5.000000000e-01, v20;
	v24 =	vadd.s32 $0x1, v12;
	[tilespmem:s29+$0xEA60] =	vst v21;
	v25 =	vmovc v1;
	v1 =	vmovc v8  }
0x142: {  	v26 =	vld [tilespmem:s30+$0x5DC0];
	v21 =	vsub.s32 $0x5F3759DF, v23;
	v28 =	vmul.f32 v18, v14;
	v15 =	vmul.f32 v19, v15;
	[tilespmem:s29+$0xF230] =	vst v17;
	v17 =	vmovc v3;
	s29 =	smov.u32 s19;
	s19 =	smov.u32 s3;
	s3 =	smov.u32 s20  }
0x143: {  	v3 =	vmovc v0;
	v0 =	vmov v6;
	s20 =	smov.u32 s30;
	v18 =	vld [tilespmem:s30+$0x6D60];
	v19 =	vmul.f32 v21, v20;
	[tilespmem:s3+$0x16760] =	vst v16;
	v16 =	vadd.s32 $0x2, v12  }
0x144: {  	v23 =	vmul.f32 v9, v9;
	[tilespmem:s3+$0x16F30] =	vst v13;
	v13 =	vsub.f32 $1.500000000e+00, v28;
	v27 =	vadd.f32 $-1.000000000e+00, v15;
	v8 =	vmovc v9  }
0x145: {  	v9 =	vmul.f32 v10, v10;
	v19 =	vmul.f32 v21, v19;
	[tilespmem:s3+$0x17ED0] =	vst v24;
	v24 =	vsub.f32 $1.000000000e+00, v15;
	v6 =	vmovc v10  }
0x146: {  	v22 =	vmul.u32 $0x3, v22;
	[tilespmem:s3+$0x186A0] =	vst v16;
	v15 =	vmul.f32 v13, v14;
	v10 =	vmul.f32 v27, v5  }
0x147: {  	v9 =	vadd.f32 v9, v23;
	v13 =	vmul.f32 v26, v26;
	[tilespmem:s3+$0x17700] =	vst v12;
	v14 =	vmul.f32 v24, v4  }
.Ltmp8:
0x148: {  	v12 =	vmul.u32 $0x3, v18;
	v18 =	vsub.f32 $1.500000000e+00, v19;
	v19 =	vmul.f32 v15, v11;
	[tilespmem:s29+$0xFA00] =	vst v10;
	v11 =	vmovc v20;
	(pc) =	sbr.rel @p1 .LBB2_11-.Ltmp8, $4  }
0x149: {  	v23 =	vmul.f32 v24, v5;
	v10 =	vadd.f32 v13, v9;
	[tilespmem:s29+$0xD2F0] =	vst v14;
	v13 =	vmul.f32 v24, v17  }
0x14a: {  	s30 =	sshra.s32 s31, $0x2;
	v5 =	vmovc v2;
	v16 =	vadd.s32 $0x1, v22;
	[tilespmem:s20+$0x15F90] =	vst v22;
	v14 =	vmul.f32 v21, v18;
	v19 =	vmul.f32 v19, v15  }
0x14b: {  	v2 =	vmovc v7;
	v17 =	vmul.f32 v27, v17;
	v21 =	vmul.f32 v27, v4;
	v9 =	vld [tilespmem:s30+$0x4E20];
	v20 =	vadd.f32 $9.999999960e-13, v10;
	[tilespmem:s29+$0xDAC0] =	vst v13  }
0x14c: {  	s31 =	sadd.s32 $0x40, s31;
	v7 =	vmovc v26;
	v4 =	vmovc v25;
	v13 =	vadd.s32 $0x2, v22;
	v10 =	vld [tilespmem:s30+$0x55F0];
	v18 =	vmul.f32 v14, v11;
	v19 =	vsub.f32 $1.500000000e+00, v19;
	[tilespmem:s29+$0xE290] =	vst v23  }
0x14d: {  	v22 =	vld [tilespmem:s30+$0x6590];
	[tilespmem:s29+$0xEA60] =	vst v21  }
0x14e: {  	v21 =	vld [tilespmem:s30+$0x5DC0];
	_ =	sdelay $0x2  }
0x14f: {  	v23 =	vmul.f32 v9, v9;
	v24 =	vmul.f32 v10, v10  }
0x150: {  	v25 =	vshrl.u32 v20, $0x1  }
0x151: {  	v51 =	vmul.f32 $5.000000000e-01, v20;
	v23 =	vadd.f32 v24, v23;
	v52 =	vmul.f32 v21, v21  }
0x152: {  	v25 =	vsub.s32 $0x5F3759DF, v25  }
0x153: {  	v26 =	vmul.f32 v25, v51;
	v23 =	vadd.f32 v52, v23;
	_ =	sdelay $0x1  }
0x154: {  	v53 =	vmul.f32 v25, v26;
	v23 =	vadd.f32 $9.999999960e-13, v23  }
0x155: {  	v54 =	vadd.s32 $0x1, v12;
	v18 =	vmul.f32 v18, v14;
	v15 =	vmul.f32 v19, v15  }
0x156: {  	[tilespmem:s29+$0xF230] =	vst v17;
	v55 =	vsub.f32 $1.500000000e+00, v53;
	v56 =	vshrl.u32 v23, $0x1;
	v23 =	vmul.f32 $5.000000000e-01, v23  }
0x157: {  	v17 =	vld [tilespmem:s30+$0x6D60];
	[tilespmem:s20+$0x16760] =	vst v16;
	v57 =	vsub.f32 $1.500000000e+00, v18;
	v58 =	vadd.f32 $-1.000000000e+00, v15;
	v24 =	vsub.s32 $0x5F3759DF, v56  }
0x158: {  	v59 =	vadd.s32 $0x2, v12;
	[tilespmem:s20+$0x16F30] =	vst v13;
	v19 =	vmul.f32 v25, v55;
	v60 =	vmul.f32 v24, v23  }
0x159: {  	[tilespmem:s20+$0x17ED0] =	vst v54;
	v15 =	vsub.f32 $1.000000000e+00, v15;
	v61 =	vmul.f32 v57, v14;
	v62 =	vmul.f32 v58, v5  }
0x15a: {  	[tilespmem:s20+$0x186A0] =	vst v59;
	v63 =	vmul.f32 v19, v51;
	v25 =	vmul.f32 v24, v60  }
0x15b: {  	[tilespmem:s20+$0x17700] =	vst v12;
	v27 =	vmul.f32 v15, v4;
	v11 =	vmul.f32 v61, v11  }
0x15c: {  	v22 =	vmul.u32 $0x3, v22;
	[tilespmem:s19+$0xFA00] =	vst v62;
	v13 =	vmul.f32 v63, v19;
	v28 =	vsub.f32 $1.500000000e+00, v25  }
0x15d: {  	v29 =	vmul.f32 v15, v3;
	[tilespmem:s19+$0xD2F0] =	vst v27;
	v11 =	vmul.f32 v11, v61  }
0x15e: {  	v30 =	vmul.f32 v15, v5;
	[tilespmem:s30+$0x15F90] =	vst v22;
	v13 =	vsub.f32 $1.500000000e+00, v13;
	v31 =	vmul.f32 v24, v28  }
0x15f: {  	v32 =	vmul.f32 v58, v4;
	v33 =	vmul.f32 v58, v3;
	[tilespmem:s19+$0xDAC0] =	vst v29;
	v11 =	vsub.f32 $1.500000000e+00, v11  }
0x160: {  	[tilespmem:s19+$0xE290] =	vst v30;
	v34 =	vmul.f32 v13, v19;
	v35 =	vmul.f32 v31, v23  }
0x161: {  	v36 =	vmul.u32 $0x3, v17;
	[tilespmem:s19+$0xEA60] =	vst v32;
	v37 =	vmul.f32 v11, v61  }
0x162: {  	v38 =	vadd.s32 $0x1, v22;
	[tilespmem:s19+$0xF230] =	vst v33;
	v39 =	vmul.f32 v34, v51;
	v12 =	vmul.f32 v35, v31  }
0x163: {  	v40 =	vadd.s32 $0x2, v22;
	v41 =	vadd.s32 $0x1, v36;
	[tilespmem:s30+$0x16760] =	vst v38  }
0x164: {  	[tilespmem:s30+$0x16F30] =	vst v40;
	v42 =	vadd.f32 $-1.000000000e+00, v37;
	v3 =	vmul.f32 v39, v34;
	v12 =	vsub.f32 $1.500000000e+00, v12  }
0x165: {  	v43 =	vadd.s32 $0x2, v36;
	[tilespmem:s30+$0x17ED0] =	vst v41;
	v4 =	vsub.f32 $1.000000000e+00, v37  }
0x166: {  	[tilespmem:s30+$0x186A0] =	vst v43;
	v44 =	vmul.f32 v42, v2;
	v3 =	vsub.f32 $1.500000000e+00, v3;
	v12 =	vmul.f32 v12, v31  }
0x167: {  	[tilespmem:s30+$0x17700] =	vst v36;
	v45 =	vmul.f32 v4, v1;
	v46 =	vmul.f32 v4, v0  }
0x168: {  	[tilespmem:s3+$0xFA00] =	vst v44;
	v3 =	vmul.f32 v3, v34;
	v47 =	vmul.f32 v12, v23  }
0x169: {  	v48 =	vmul.f32 v4, v2;
	[tilespmem:s3+$0xD2F0] =	vst v45  }
0x16a: {  	v49 =	vmul.f32 v42, v1;
	[tilespmem:s3+$0xDAC0] =	vst v46;
	v50 =	vadd.f32 $-1.000000000e+00, v3;
	v5 =	vmul.f32 v47, v12  }
0x16b: {  	v51 =	vmul.f32 v42, v0;
	[tilespmem:s3+$0xE290] =	vst v48;
	v52 =	vsub.f32 $1.000000000e+00, v3  }
0x16c: {  	[tilespmem:s3+$0xEA60] =	vst v49;
	v53 =	vmul.f32 v50, v7;
	v54 =	vsub.f32 $1.500000000e+00, v5  }
0x16d: {  	[tilespmem:s3+$0xF230] =	vst v51;
	v55 =	vmul.f32 v52, v8  }
0x16e: {  	v56 =	vmul.f32 v52, v6;
	[tilespmem:s20+$0xFA00] =	vst v53;
	v3 =	vmul.f32 v54, v12  }
0x16f: {  	v57 =	vmul.f32 v52, v7;
	[tilespmem:s20+$0xD2F0] =	vst v55  }
0x170: {  	v58 =	vmul.f32 v50, v8;
	[tilespmem:s20+$0xDAC0] =	vst v56;
	v59 =	vadd.f32 $-1.000000000e+00, v3  }
0x171: {  	v4 =	vmul.f32 v50, v6;
	[tilespmem:s20+$0xE290] =	vst v57;
	v60 =	vsub.f32 $1.000000000e+00, v3  }
0x172: {  	[tilespmem:s20+$0xEA60] =	vst v58;
	v61 =	vmul.f32 v59, v21  }
0x173: {  	[tilespmem:s20+$0xF230] =	vst v4;
	v3 =	vmul.f32 v60, v9  }
0x174: {  	v62 =	vmul.f32 v60, v10;
	[tilespmem:s30+$0xFA00] =	vst v61  }
0x175: {  	v0 =	vmul.f32 v60, v21;
	[tilespmem:s30+$0xD2F0] =	vst v3  }
0x176: {  	v63 =	vmul.f32 v59, v9;
	[tilespmem:s30+$0xDAC0] =	vst v62  }
0x177: {  	v2 =	vmul.f32 v59, v10;
	[tilespmem:s30+$0xE290] =	vst v0  }
.Ltmp9:
0x178: {  	[tilespmem:s30+$0xEA60] =	vst v63;
	(pc) =	sbr.rel .LBB2_13-.Ltmp9, $4  }
0x179: {  	s29 =	simm.s32 $0x15F90;
	[tilespmem:s30+$0xF230] =	vst v2;
	s30 =	simm.s32 $0xD2F0  }
0x17a: {  	[spmem:s2] =	stream.indirect.scatter.add.f32 [tilespmem:s30], [sflag:$0x6], $0x1, s29, s24, $0xb8;
	[tilespmem:$0x1D7B0] =	vst v63  }
0x17b: {  	s31 =	simm.s32 $0x17700  }
0x17c: {  	[spmem:s2] =	stream.indirect.scatter.add.f32 [tilespmem:s0], [sflag:$0x6], $0x1, s31, s24, $0xb8;
	[tilespmem:$0x1D7B0] =	vst v63  }
.LBB2_4:
0x17d: {  	_ =	swait.ge [sflag:s12], $0x7D0  }
0x17e: {  	[sflag:s12] =	ssyncset.done $0x0  }
0x17f: {  	[sflag:s12] =	ssyncadd.s32 $0xFFFFF830  }
0x180: {  	_ =	swait.ge [sflag:s12], $0x7D0  }
0x181: {  	[sflag:s12] =	ssyncset.done $0x0  }
0x182: {  	[sflag:s12] =	ssyncadd.s32 $0xFFFFF830  }
0x183: {  	_ =	swait.ge [sflag:s12], $0x7D0  }
0x184: {  	[sflag:s12] =	ssyncset.done $0x0  }
0x185: {  	[sflag:s12] =	ssyncadd.s32 $0xFFFFF830  }
0x186: {  	_ =	swait.ge [sflag:s12], $0x7D0  }
0x187: {  	[sflag:s12] =	ssyncset.done $0x0  }
0x188: {  	[sflag:s12] =	ssyncadd.s32 $0xFFFFF830  }
0x189: {  	s3 =	smul.u32 @!p1 $0xFA, s3;
	_ =	swait.ge [sflag:s12], $0x7D0  }
0x18a: {  	s20 =	simm.s32 @!p1 $0x0;
	[sflag:s12] =	ssyncset.done $0x0  }
0x18b: {  	s29 =	simm.s32 @!p1 $0x2710;
	s19 =	sadd.s32 @!p1 s5, s3;
	[sflag:s12] =	ssyncadd.s32 $0xFFFFF830  }
0x18c: {  	[tilespmem:s29], [sflag:$0x2] =	stream.linear.gather @!p1 [hbm4b:s19+s20], $0x7D0, $0x38;
	[tilespmem:$0x1D7B0] =	vst v63  }
0x18d: {  	s19 =	sadd.s32 @!p1 s6, s3;
	s29 =	simm.s32 @!p1 $0x2EE0  }
0x18e: {  	[tilespmem:s29], [sflag:$0x2] =	stream.linear.gather @!p1 [hbm4b:s19+s20], $0x7D0, $0x38;
	[tilespmem:$0x1D7B0] =	vst v63  }
0x18f: {  	s19 =	sadd.s32 @!p1 s7, s3;
	s29 =	simm.s32 @!p1 $0x36B0  }
0x190: {  	[tilespmem:s29], [sflag:$0x2] =	stream.linear.gather @!p1 [hbm4b:s19+s20], $0x7D0, $0x38;
	[tilespmem:$0x1D7B0] =	vst v63  }
0x191: {  	s19 =	sadd.s32 @!p1 s8, s3;
	s29 =	simm.s32 @!p1 $0x3E80  }
0x192: {  	[tilespmem:s29], [sflag:$0x2] =	stream.linear.gather @!p1 [hbm4b:s19+s20], $0x7D0, $0x38;
	[tilespmem:$0x1D7B0] =	vst v63  }
0x193: {  	s3 =	sadd.s32 @!p1 s1, s3;
	s19 =	simm.s32 @!p1 $0x4650  }
0x194: {  	[tilespmem:s19], [sflag:$0x2] =	stream.linear.gather @!p1 [hbm4b:s3+s20], $0x7D0, $0x38;
	[tilespmem:$0x1D7B0] =	vst v63  }
0x195: {  	p1 =	por p1, !p2  }
0x196: {  	_ =	swait.ge @p1 [sflag:s22], $0x1770  }
0x197: {  	[sflag:s22] =	ssyncset.done @p1 $0x0  }
0x198: {  	[sflag:s22] =	ssyncadd.s32 @p1 $0xFFFFE890  }
0x199: {  	_ =	swait.ge @p1 [sflag:s22], $0x1770  }
0x19a: {  	[sflag:s22] =	ssyncset.done @p1 $0x0  }
0x19b: {  	s29 =	simm.s32 $0x0;
	[sflag:s22] =	ssyncadd.s32 @p1 $0xFFFFE890  }
0x19c: {  	v10 =	vld [tilespmem:s29+$0x0]  }
0x19d: {  	v13 =	vld [tilespmem:s29+$0x7D0];
	_ =	sdelay $0x1  }
0x19e: {  	v9 =	vld [tilespmem:s29+$0xFA0]  }
0x19f: {  	v0 =	vld [tilespmem:s29+$0x1770];
	_ =	sdelay $0x1  }
0x1a0: {  	v1 =	vmul.f32 v10, v10;
	v2 =	vmul.f32 v13, v13;
	_ =	sdelay $0x1  }
0x1a1: {  	v1 =	vadd.f32 v2, v1;
	v2 =	vmul.f32 v9, v9  }
0x1a2: {  	v0 =	vmul.u32 $0x3, v0  }
0x1a3: {  	v6 =	vld [tilespmem:s29+$0x1F40];
	v1 =	vadd.f32 v2, v1  }
0x1a4: {  	s19 =	simm.s32 $0x10;
	[tilespmem:s29+$0x101D0] =	vst v0  }
0x1a5: {  	v4 =	vld [tilespmem:s19+$0x0];
	v1 =	vadd.f32 $9.999999960e-13, v1  }
0x1a6: {  	v3 =	vld [tilespmem:s19+$0x7D0]  }
0x1a7: {  	v2 =	vld [tilespmem:s19+$0x1770];
	v7 =	vshrl.u32 v1, $0x1;
	v8 =	vmul.f32 $5.000000000e-01, v1  }
0x1a8: {  	v6 =	vmul.u32 $0x3, v6;
	v5 =	vld [tilespmem:s19+$0xFA0];
	v1 =	vsub.s32 $0x5F3759DF, v7;
	v7 =	vadd.s32 $0x1, v0  }
0x1a9: {  	v11 =	vld [tilespmem:s19+$0x1F40];
	v0 =	vadd.s32 $0x2, v0;
	v12 =	vmul.f32 v1, v8;
	[tilespmem:s29+$0x109A0] =	vst v7  }
0x1aa: {  	v14 =	vmul.f32 v4, v4;
	v7 =	vadd.s32 $0x1, v6;
	[tilespmem:s29+$0x11170] =	vst v0  }
0x1ab: {  	[tilespmem:s29+$0x12110] =	vst v7;
	v7 =	vmul.f32 v3, v3;
	v0 =	vmul.f32 v1, v12  }
0x1ac: {  	v15 =	vmul.u32 $0x3, v2;
	v12 =	vadd.s32 $0x2, v6  }
0x1ad: {  	[tilespmem:s29+$0x11940] =	vst v6;
	v6 =	vmul.f32 v5, v5;
	v2 =	vadd.f32 v7, v14;
	v0 =	vsub.f32 $1.500000000e+00, v0;
	_ =	sdelay $0x1  }
0x1ae: {  	[tilespmem:s29+$0x128E0] =	vst v12;
	v2 =	vadd.f32 v6, v2;
	v7 =	vmul.f32 v1, v0  }
0x1af: {  	s3 =	simm.s32 $0x20;
	[tilespmem:s19+$0x101D0] =	vst v15  }
0x1b0: {  	v12 =	vld [tilespmem:s3+$0x1770];
	v14 =	vadd.f32 $9.999999960e-13, v2;
	v6 =	vmul.f32 v7, v8  }
0x1b1: {  	v11 =	vmul.u32 $0x3, v11;
	v1 =	vld [tilespmem:s3+$0x0]  }
0x1b2: {  	v0 =	vld [tilespmem:s3+$0x7D0];
	v18 =	vshrl.u32 v14, $0x1;
	v14 =	vmul.f32 $5.000000000e-01, v14;
	v6 =	vmul.f32 v6, v7  }
0x1b3: {  	v16 =	vadd.s32 $0x1, v15;
	v15 =	vadd.s32 $0x2, v15;
	v17 =	vld [tilespmem:s3+$0x1F40];
	v18 =	vsub.s32 $0x5F3759DF, v18  }
0x1b4: {  	v2 =	vld [tilespmem:s3+$0xFA0];
	[tilespmem:s19+$0x11170] =	vst v15;
	v15 =	vmul.f32 v18, v14;
	v6 =	vsub.f32 $1.500000000e+00, v6  }
0x1b5: {  	[tilespmem:s19+$0x109A0] =	vst v16;
	v16 =	vadd.s32 $0x1, v11  }
0x1b6: {  	[tilespmem:s19+$0x12110] =	vst v16;
	v15 =	vmul.f32 v18, v15;
	v16 =	vmul.f32 v6, v7  }
0x1b7: {  	v19 =	vadd.s32 $0x2, v11;
	v6 =	vmul.f32 v1, v1;
	v7 =	vmul.f32 v0, v0  }
0x1b8: {  	[tilespmem:s19+$0x11940] =	vst v11;
	v12 =	vmul.u32 $0x3, v12;
	v11 =	vsub.f32 $1.500000000e+00, v15;
	v8 =	vmul.f32 v16, v8  }
0x1b9: {  	[tilespmem:s19+$0x128E0] =	vst v19;
	v6 =	vadd.f32 v7, v6;
	v7 =	vmul.f32 v2, v2  }
0x1ba: {  	s20 =	simm.s32 $0x30;
	[tilespmem:s3+$0x101D0] =	vst v12;
	v18 =	vmul.f32 v18, v11;
	v15 =	vmul.f32 v8, v16  }
0x1bb: {  	v8 =	vld [tilespmem:s20+$0x0];
	v7 =	vadd.f32 v7, v6  }
0x1bc: {  	v6 =	vld [tilespmem:s20+$0x7D0];
	v21 =	vmul.f32 v18, v14;
	v11 =	vsub.f32 $1.500000000e+00, v15  }
0x1bd: {  	v17 =	vmul.u32 $0x3, v17;
	v19 =	vadd.s32 $0x1, v12;
	v15 =	vld [tilespmem:s20+$0x1770];
	v20 =	vadd.f32 $9.999999960e-13, v7  }
0x1be: {  	v12 =	vadd.s32 $0x2, v12;
	v22 =	vld [tilespmem:s20+$0x1F40];
	v21 =	vmul.f32 v21, v18;
	v16 =	vmul.f32 v11, v16  }
0x1bf: {  	v7 =	vld [tilespmem:s20+$0xFA0];
	[tilespmem:s3+$0x109A0] =	vst v19;
	v23 =	vshrl.u32 v20, $0x1;
	v11 =	vmul.f32 $5.000000000e-01, v20;
	v20 =	vadd.s32 $0x1, v17  }
0x1c0: {  	v19 =	vsub.s32 $0x5F3759DF, v23;
	[tilespmem:s3+$0x12110] =	vst v20;
	v20 =	vmul.f32 v8, v8;
	v21 =	vsub.f32 $1.500000000e+00, v21  }
0x1c1: {  	[tilespmem:s3+$0x11170] =	vst v12;
	v23 =	vadd.f32 $-1.000000000e+00, v16;
	v12 =	vmul.f32 v19, v11;
	v16 =	vsub.f32 $1.000000000e+00, v16  }
0x1c2: {  	v25 =	vmul.f32 v6, v6;
	v26 =	vmul.u32 $0x3, v15;
	v15 =	vmul.f32 v21, v18  }
0x1c3: {  	v24 =	vadd.s32 $0x2, v17;
	[tilespmem:s3+$0x11940] =	vst v17;
	v17 =	vmul.f32 v16, v10;
	v12 =	vmul.f32 v19, v12  }
0x1c4: {  	[tilespmem:s3+$0x128E0] =	vst v24;
	v18 =	vadd.f32 v25, v20;
	v20 =	vmul.f32 v7, v7;
	v62 =	vmul.f32 v23, v9  }
0x1c5: {  	v63 =	vmul.f32 v16, v13;
	v21 =	vmul.f32 v15, v14;
	[tilespmem:s29+$0x7530] =	vst v17;
	v17 =	vsub.f32 $1.500000000e+00, v12  }
0x1c6: {  	v18 =	vadd.f32 v20, v18;
	[tilespmem:s29+$0x9C40] =	vst v62;
	v12 =	vmul.u32 $0x3, v22;
	v22 =	vmul.f32 v16, v9  }
0x1c7: {  	s30 =	simm.s32 $0x40;
	v16 =	vadd.s32 $0x1, v26;
	[tilespmem:s20+$0x101D0] =	vst v26;
	v14 =	vmul.f32 v19, v17;
	v19 =	vmul.f32 v21, v15  }
0x1c8: {  	v20 =	vadd.f32 $9.999999960e-13, v18;
	v9 =	vld [tilespmem:s30+$0x0];
	[tilespmem:s29+$0x7D00] =	vst v63;
	v21 =	vmul.f32 v23, v10;
	v17 =	vmul.f32 v23, v13  }
0x1c9: {  	s31 =	simm.s32 $0x140;
	v13 =	vadd.s32 $0x2, v26;
	v10 =	vld [tilespmem:s30+$0x7D0];
	[tilespmem:s29+$0x84D0] =	vst v22;
	v18 =	vmul.f32 v14, v11;
	v19 =	vsub.f32 $1.500000000e+00, v19  }
.LBB2_5:
0x1ca: {  	p1 =	sne.s32 s31, $0x1F00;
	v22 =	vld [tilespmem:s30+$0x1770];
	v23 =	vshrl.u32 v20, $0x1;
	v20 =	vmul.f32 $5.000000000e-01, v20;
	v24 =	vadd.s32 $0x1, v12;
	[tilespmem:s29+$0x8CA0] =	vst v21;
	v25 =	vmovc v1;
	v1 =	vmovc v8  }
0x1cb: {  	v26 =	vld [tilespmem:s30+$0xFA0];
	v21 =	vsub.s32 $0x5F3759DF, v23;
	v28 =	vmul.f32 v18, v14;
	v15 =	vmul.f32 v19, v15;
	[tilespmem:s29+$0x9470] =	vst v17;
	v17 =	vmovc v3;
	s29 =	smov.u32 s19;
	s19 =	smov.u32 s3;
	s3 =	smov.u32 s20  }
0x1cc: {  	v3 =	vmovc v0;
	v0 =	vmov v6;
	s20 =	smov.u32 s30;
	v18 =	vld [tilespmem:s30+$0x1F40];
	v19 =	vmul.f32 v21, v20;
	[tilespmem:s3+$0x109A0] =	vst v16;
	v16 =	vadd.s32 $0x2, v12  }
0x1cd: {  	v23 =	vmul.f32 v9, v9;
	[tilespmem:s3+$0x11170] =	vst v13;
	v13 =	vsub.f32 $1.500000000e+00, v28;
	v27 =	vadd.f32 $-1.000000000e+00, v15;
	v8 =	vmovc v9  }
0x1ce: {  	v9 =	vmul.f32 v10, v10;
	v19 =	vmul.f32 v21, v19;
	[tilespmem:s3+$0x12110] =	vst v24;
	v24 =	vsub.f32 $1.000000000e+00, v15;
	v6 =	vmovc v10  }
0x1cf: {  	v22 =	vmul.u32 $0x3, v22;
	[tilespmem:s3+$0x128E0] =	vst v16;
	v15 =	vmul.f32 v13, v14;
	v10 =	vmul.f32 v27, v5  }
0x1d0: {  	v9 =	vadd.f32 v9, v23;
	v13 =	vmul.f32 v26, v26;
	[tilespmem:s3+$0x11940] =	vst v12;
	v14 =	vmul.f32 v24, v4  }
.Ltmp10:
0x1d1: {  	v12 =	vmul.u32 $0x3, v18;
	v18 =	vsub.f32 $1.500000000e+00, v19;
	v19 =	vmul.f32 v15, v11;
	[tilespmem:s29+$0x9C40] =	vst v10;
	v11 =	vmovc v20;
	(pc) =	sbr.rel @p1 .LBB2_5-.Ltmp10, $4  }
0x1d2: {  	v23 =	vmul.f32 v24, v5;
	v10 =	vadd.f32 v13, v9;
	[tilespmem:s29+$0x7530] =	vst v14;
	v13 =	vmul.f32 v24, v17  }
0x1d3: {  	s30 =	sshra.s32 s31, $0x2;
	v5 =	vmovc v2;
	v16 =	vadd.s32 $0x1, v22;
	[tilespmem:s20+$0x101D0] =	vst v22;
	v14 =	vmul.f32 v21, v18;
	v19 =	vmul.f32 v19, v15  }
0x1d4: {  	v2 =	vmovc v7;
	v17 =	vmul.f32 v27, v17;
	v21 =	vmul.f32 v27, v4;
	v9 =	vld [tilespmem:s30+$0x0];
	v20 =	vadd.f32 $9.999999960e-13, v10;
	[tilespmem:s29+$0x7D00] =	vst v13  }
0x1d5: {  	s31 =	sadd.s32 $0x40, s31;
	v7 =	vmovc v26;
	v4 =	vmovc v25;
	v13 =	vadd.s32 $0x2, v22;
	v10 =	vld [tilespmem:s30+$0x7D0];
	v18 =	vmul.f32 v14, v11;
	v19 =	vsub.f32 $1.500000000e+00, v19;
	[tilespmem:s29+$0x84D0] =	vst v23  }
0x1d6: {  	v22 =	vld [tilespmem:s30+$0x1770];
	[tilespmem:s29+$0x8CA0] =	vst v21  }
0x1d7: {  	v21 =	vld [tilespmem:s30+$0xFA0];
	_ =	sdelay $0x2  }
0x1d8: {  	v23 =	vmul.f32 v9, v9;
	v24 =	vmul.f32 v10, v10  }
0x1d9: {  	v25 =	vshrl.u32 v20, $0x1  }
0x1da: {  	v51 =	vmul.f32 $5.000000000e-01, v20;
	v23 =	vadd.f32 v24, v23;
	v52 =	vmul.f32 v21, v21  }
0x1db: {  	v25 =	vsub.s32 $0x5F3759DF, v25  }
0x1dc: {  	v26 =	vmul.f32 v25, v51;
	v23 =	vadd.f32 v52, v23;
	_ =	sdelay $0x1  }
0x1dd: {  	v53 =	vmul.f32 v25, v26;
	v23 =	vadd.f32 $9.999999960e-13, v23  }
0x1de: {  	v54 =	vadd.s32 $0x1, v12;
	v18 =	vmul.f32 v18, v14;
	v15 =	vmul.f32 v19, v15  }
0x1df: {  	[tilespmem:s29+$0x9470] =	vst v17;
	v55 =	vsub.f32 $1.500000000e+00, v53;
	v56 =	vshrl.u32 v23, $0x1;
	v23 =	vmul.f32 $5.000000000e-01, v23  }
0x1e0: {  	v17 =	vld [tilespmem:s30+$0x1F40];
	[tilespmem:s20+$0x109A0] =	vst v16;
	v57 =	vsub.f32 $1.500000000e+00, v18;
	v58 =	vadd.f32 $-1.000000000e+00, v15;
	v24 =	vsub.s32 $0x5F3759DF, v56  }
0x1e1: {  	v59 =	vadd.s32 $0x2, v12;
	[tilespmem:s20+$0x11170] =	vst v13;
	v19 =	vmul.f32 v25, v55;
	v60 =	vmul.f32 v24, v23  }
0x1e2: {  	[tilespmem:s20+$0x12110] =	vst v54;
	v15 =	vsub.f32 $1.000000000e+00, v15;
	v61 =	vmul.f32 v57, v14;
	v62 =	vmul.f32 v58, v5  }
0x1e3: {  	[tilespmem:s20+$0x128E0] =	vst v59;
	v63 =	vmul.f32 v19, v51;
	v25 =	vmul.f32 v24, v60  }
0x1e4: {  	[tilespmem:s20+$0x11940] =	vst v12;
	v27 =	vmul.f32 v15, v4;
	v11 =	vmul.f32 v61, v11  }
0x1e5: {  	v22 =	vmul.u32 $0x3, v22;
	[tilespmem:s19+$0x9C40] =	vst v62;
	v13 =	vmul.f32 v63, v19;
	v28 =	vsub.f32 $1.500000000e+00, v25  }
0x1e6: {  	v29 =	vmul.f32 v15, v3;
	[tilespmem:s19+$0x7530] =	vst v27;
	v11 =	vmul.f32 v11, v61  }
0x1e7: {  	v30 =	vmul.f32 v15, v5;
	[tilespmem:s30+$0x101D0] =	vst v22;
	v13 =	vsub.f32 $1.500000000e+00, v13;
	v31 =	vmul.f32 v24, v28  }
0x1e8: {  	v32 =	vmul.f32 v58, v4;
	v33 =	vmul.f32 v58, v3;
	[tilespmem:s19+$0x7D00] =	vst v29;
	v11 =	vsub.f32 $1.500000000e+00, v11  }
0x1e9: {  	[tilespmem:s19+$0x84D0] =	vst v30;
	v34 =	vmul.f32 v13, v19;
	v35 =	vmul.f32 v31, v23  }
0x1ea: {  	v36 =	vmul.u32 $0x3, v17;
	[tilespmem:s19+$0x8CA0] =	vst v32;
	v37 =	vmul.f32 v11, v61  }
0x1eb: {  	v38 =	vadd.s32 $0x1, v22;
	[tilespmem:s19+$0x9470] =	vst v33;
	v39 =	vmul.f32 v34, v51;
	v12 =	vmul.f32 v35, v31  }
0x1ec: {  	v40 =	vadd.s32 $0x2, v22;
	v41 =	vadd.s32 $0x1, v36;
	[tilespmem:s30+$0x109A0] =	vst v38  }
0x1ed: {  	[tilespmem:s30+$0x11170] =	vst v40;
	v42 =	vadd.f32 $-1.000000000e+00, v37;
	v3 =	vmul.f32 v39, v34;
	v12 =	vsub.f32 $1.500000000e+00, v12  }
0x1ee: {  	v43 =	vadd.s32 $0x2, v36;
	[tilespmem:s30+$0x12110] =	vst v41;
	v4 =	vsub.f32 $1.000000000e+00, v37  }
0x1ef: {  	[tilespmem:s30+$0x128E0] =	vst v43;
	v44 =	vmul.f32 v42, v2;
	v3 =	vsub.f32 $1.500000000e+00, v3;
	v12 =	vmul.f32 v12, v31  }
0x1f0: {  	[tilespmem:s30+$0x11940] =	vst v36;
	v45 =	vmul.f32 v4, v1;
	v46 =	vmul.f32 v4, v0  }
0x1f1: {  	[tilespmem:s3+$0x9C40] =	vst v44;
	v3 =	vmul.f32 v3, v34;
	v47 =	vmul.f32 v12, v23  }
0x1f2: {  	v48 =	vmul.f32 v4, v2;
	[tilespmem:s3+$0x7530] =	vst v45  }
0x1f3: {  	v49 =	vmul.f32 v42, v1;
	[tilespmem:s3+$0x7D00] =	vst v46;
	v50 =	vadd.f32 $-1.000000000e+00, v3;
	v5 =	vmul.f32 v47, v12  }
0x1f4: {  	v51 =	vmul.f32 v42, v0;
	[tilespmem:s3+$0x84D0] =	vst v48;
	v52 =	vsub.f32 $1.000000000e+00, v3  }
0x1f5: {  	[tilespmem:s3+$0x8CA0] =	vst v49;
	v53 =	vmul.f32 v50, v7;
	v54 =	vsub.f32 $1.500000000e+00, v5  }
0x1f6: {  	[tilespmem:s3+$0x9470] =	vst v51;
	v55 =	vmul.f32 v52, v8  }
0x1f7: {  	v56 =	vmul.f32 v52, v6;
	[tilespmem:s20+$0x9C40] =	vst v53;
	v3 =	vmul.f32 v54, v12  }
0x1f8: {  	v57 =	vmul.f32 v52, v7;
	[tilespmem:s20+$0x7530] =	vst v55  }
0x1f9: {  	v58 =	vmul.f32 v50, v8;
	[tilespmem:s20+$0x7D00] =	vst v56;
	v59 =	vadd.f32 $-1.000000000e+00, v3  }
0x1fa: {  	v4 =	vmul.f32 v50, v6;
	[tilespmem:s20+$0x84D0] =	vst v57;
	v60 =	vsub.f32 $1.000000000e+00, v3  }
0x1fb: {  	[tilespmem:s20+$0x8CA0] =	vst v58;
	v61 =	vmul.f32 v59, v21  }
0x1fc: {  	[tilespmem:s20+$0x9470] =	vst v4;
	v3 =	vmul.f32 v60, v9  }
0x1fd: {  	v62 =	vmul.f32 v60, v10;
	[tilespmem:s30+$0x9C40] =	vst v61  }
0x1fe: {  	v0 =	vmul.f32 v60, v21;
	[tilespmem:s30+$0x7530] =	vst v3  }
0x1ff: {  	v63 =	vmul.f32 v59, v9;
	[tilespmem:s30+$0x7D00] =	vst v62  }
0x200: {  	v2 =	vmul.f32 v59, v10;
	[tilespmem:s30+$0x84D0] =	vst v0  }
.Ltmp11:
0x201: {  	[tilespmem:s30+$0x8CA0] =	vst v63;
	(pc) =	sbr.rel .LBB2_13-.Ltmp11, $4  }
0x202: {  	[tilespmem:s30+$0x9470] =	vst v2  }
0x203: {  	[spmem:s2] =	stream.indirect.scatter.add.f32 [tilespmem:s14], [sflag:$0x4], $0x1, s13, s24, $0xb8;
	[tilespmem:$0x1D7B0] =	vst v63  }
0x204: {  	_ = 	snop  }
0x205: {  	[spmem:s2] =	stream.indirect.scatter.add.f32 [tilespmem:s16], [sflag:$0x4], $0x1, s15, s24, $0xb8;
	[tilespmem:$0x1D7B0] =	vst v63  }
.LBB2_15:
0x206: {  	_ =	sfence.sel $0x180000  }
0x207: {  	[bflag:$0x0] =	sbarrier.arrive $0xFFFF  }
0x208: {  	_ =	strace $0x90000047  }
0x209: {  	s0 =	stileid.u32;
	[bflag:$0x2] =	sbarrier.arrive $0xFFFF  }
0x20a: {  	p0 =	sne.s32 s0, $0x0;
	s0 =	rddreg [dreg:$0x3]  }
0x20b: {  	s0 =	sadd.s32 @!p0 $0x100000, s0  }
0x20c: {  	[sflag:s0] =	ssyncadd.tile.s32 @!p0 $0x1;
	_ =	shalt  }
.Lfunc_end2:
_tile_overlayer_lowered:
.L_overlay_start_2:
0x20d: {  	(tag) =	ssettag $0x2  }
0x20e: {  	s0 =	rddreg [dreg:$0x0];
	s2 =	stileid.u32  }
0x20f: {  	s1 =	rddreg [dreg:$0x1];
	p0 =	sne.s32 s2, $0x0  }
0x210: {  	s3 =	rddreg [dreg:$0x2];
	[bflag:$0x3] =	sbarrier.arrive $0xFFFF;
	s2 =	simm.s32 @!p0 $0x1C07  }
0x211: {  	[timem:s3], [sflag:s2] =	dma.local @!p0 [hbm:s0], s1  }
0x212: {  	s0 =	simm.s32 @!p0 $0x7  }
0x213: {  	_ =	swait.ge @!p0 [sflag:s0], s1  }
0x214: {  	s1 =	ssub.s32 @!p0 $0x0, s1;
	[sflag:s0] =	ssyncset.done @!p0 $0x0  }
0x215: {  	[sflag:s0] =	ssyncadd.s32 @!p0 s1  }
0x216: {  	[bflag:$0x3] =	sbarrier.arrive $0xFFFF  }
0x217: {  	_ =	shalt  }

</sc_bundles>
